<compile_context>
chip_gen: v7x
topology: tpu7x:2x2x1
jax: 0.10.2.dev20260603
libtpu: 0.0.44.dev20260713+nightly
codegen_flags: <defaults>
</compile_context>

<pallas_src>
import functools

import jax
import jax.numpy as jnp
from jax import lax
from jax.experimental import pallas as pl
from jax.experimental.pallas import tpu as pltpu
from jax.experimental.pallas import tpu_sc as plsc

B, H, S, D, K = 16, 12, 577, 768, 64
NEG = -1e30
BIG = 1 << 30


SP = 640
CH = SP // 128


def _topk_body(cls_ref, idx_ref):
    ss = []
    for c in range(CH):
        x = cls_ref[0, :, c * 128:(c + 1) * 128]
        for h in range(1, H):
            x = x + cls_ref[h, :, c * 128:(c + 1) * 128]
        ss.append(x * (1.0 / 12.0))
    pos0 = lax.broadcasted_iota(jnp.int32, (B, 128), 1)
    ss[0] = jnp.where(pos0 == 0, NEG, ss[0])
    poss = [pos0 + 128 * c for c in range(CH)]
    kio = lax.broadcasted_iota(jnp.int32, (B, K), 1)
    base = lax.broadcasted_iota(jnp.int32, (B, K), 0)

    def _lexmax(m, pi, m2, p2):
        take = (m2 > m) | ((m2 == m) & (p2 < pi))
        return jnp.where(take, m2, m), jnp.where(take, p2, pi)

    def step(r, carry):
        *sch, iv = carry
        m, pi = sch[0], poss[0]
        for c in range(1, CH):
            m, pi = _lexmax(m, pi, sch[c], poss[c])
        sh = 1
        while sh < 128:
            m, pi = _lexmax(m, pi, jnp.roll(m, sh, 1), jnp.roll(pi, sh, 1))
            sh *= 2
        iv = jnp.where(kio == r, pi[:, :K] * B + base, iv)
        sch = [jnp.where(poss[c] == pi, NEG, sch[c]) for c in range(CH)]
        return (*sch, iv)

    carry = lax.fori_loop(0, K, step,
                          (*ss, jnp.zeros((B, K), jnp.int32)))
    idx_ref[:, :] = carry[-1]


def _topk_call(cls_t, *, interpret=False):
    return pl.pallas_call(
        _topk_body,
        out_shape=jax.ShapeDtypeStruct((B, K), jnp.int32),
        interpret=interpret,
    )(cls_t)


@functools.lru_cache(maxsize=None)
def _gather_call():
    info = plsc.get_sparse_core_info()
    NC, NS = info.num_cores, info.num_subcores
    NW = NC * NS
    bpw = (B * K) // NW
    hpb = K // bpw
    mesh = plsc.VectorSubcoreMesh(
        core_axis_name="c", subcore_axis_name="s", num_cores=NC)

    @functools.partial(
        pl.kernel,
        out_type=jax.ShapeDtypeStruct((B, K, D), jnp.float32),
        mesh=mesh,
        scratch_types=[
            pltpu.VMEM((bpw,), jnp.int32),
            pltpu.VMEM((bpw, D), jnp.float32),
            pltpu.SemaphoreType.DMA,
        ],
        compiler_params=pltpu.CompilerParams(use_tc_tiling_on_sc=True),
    )
    def gk(table_hbm, idx_hbm, out_hbm, idx_v, rows_v, sem):
        wid = lax.axis_index("s") * NC + lax.axis_index("c")
        b = wid // hpb
        off = (wid % hpb) * bpw
        pltpu.sync_copy(idx_hbm.at[b, pl.ds(off, bpw)], idx_v)
        pltpu.async_copy(table_hbm.at[idx_v], rows_v, sem).wait()
        pltpu.sync_copy(rows_v, out_hbm.at[b, pl.ds(off, bpw)])

    return gk


def kernel(attn_last, hidden_states):
    cls_t = attn_last[:, :, 0, :].transpose(1, 0, 2)
    cls_t = jnp.pad(cls_t, ((0, 0), (0, 0), (0, SP - S)),
                    constant_values=NEG)
    table = hidden_states.transpose(1, 0, 2).reshape(S * B, D)
    idx = _topk_call(cls_t)
    return _gather_call()(table, idx)

# --- scband reference (transcript-rebuilt; emitter-appended) ---
"""Pipeline reference for scband-clsguided-compressor-57535381897508 (READ-ONLY COPY).

The authoritative reference and input builder live on the scoring server;
editing this copy changes nothing except your own understanding.
"""

import jax, jax.numpy as jnp
import numpy as np

K = 64

def setup_inputs(seed: int = 0) -> dict:
    key = jax.random.key(seed)
    k1, k2 = jax.random.split(key)
    # attn_last stands in for vision_outputs.attentions[-1]: [B, H, S, S]
    attn_last = jax.random.uniform(k1, (16, 12, 577, 577), dtype=jnp.float32)
    hidden_states = jax.random.normal(k2, (16, 577, 768), dtype=jnp.float32)
    return {"attn_last": attn_last, "hidden_states": hidden_states}

def reference(attn_last, hidden_states):
    # cls_attn = attn_last[:, :, 0, :] -> [B, H, S]
    cls_attn = attn_last[:, :, 0, :]
    # mean over heads -> [B, S]
    cls_attn_mean = jnp.mean(cls_attn, axis=1)
    # drop CLS column -> [B, num_patches]
    patch_scores = cls_attn_mean[:, 1:]
    # topk mode
    _, topk_idx = jax.lax.top_k(patch_scores, K)
    # gather hidden_states[b, topk_idx[b] + 1, :] for each b -> [B, K, D]
    idx = topk_idx + 1
    compressed_tokens = jnp.take_along_axis(hidden_states, idx[:, :, None], axis=1)
    return compressed_tokens

if __name__ == "__main__":
    import jax
    _d = setup_inputs()
    print(jax.jit(kernel)(*tuple(_d.values())))

</pallas_src>

<mosaic_0001>
#map = affine_map<(d0, d1) -> (0, 0)>
#map1 = affine_map<(d0, d1) -> (0, 0, 0)>
module attributes {stable_mosaic.version = 14 : i64} {
  func.func @gk(%arg0: i32, %arg1: i32, %arg2: memref<9232x768xf32, #tpu.memory_space<hbm>>, %arg3: memref<16x64xi32, #tpu.memory_space<hbm>>, %arg4: memref<16x64x768xf32, #tpu.memory_space<hbm>>, %arg5: memref<32xi32, #tpu.memory_space<vmem>>, %arg6: memref<32x768xf32, #tpu.memory_space<vmem>>, %arg7: memref<!tpu.dma_semaphore, #tpu.memory_space<semaphore_mem>>) attributes {dimension_semantics = [#tpu.dimension_semantics<core_parallel>, #tpu.dimension_semantics<subcore_parallel>], iteration_bounds = array<i64: 2, 16>, scalar_prefetch = 0 : i64, scratch_operands = 3 : i64, tpu.core_type = #tpu.core_type<sc_vector_subcore>, window_params = [{transform_indices = #map}, {transform_indices = #map}, {transform_indices = #map1}]} {
    %mul3A = arith.constant 2 : i32
    %mul3A_0 = arith.muli %arg1, %mul3A : i32
    %add3A = arith.addi %mul3A_0, %arg0 : i32
    %jit3A = arith.constant 2 : i32
    %div3A = arith.divsi %add3A, %jit3A : i32
    %sign3A = arith.constant 0 : i32
    %sign3A_1 = arith.cmpi sgt, %add3A, %sign3A : i32
    %sign3A_2 = arith.extui %sign3A_1 : i1 to i32
    %sign3A_3 = arith.constant 0 : i32
    %sign3A_4 = arith.cmpi slt, %add3A, %sign3A_3 : i32
    %sign3A_5 = arith.extui %sign3A_4 : i1 to i32
    %sign3A_6 = arith.subi %sign3A_2, %sign3A_5 : i32
    %sign3A_7 = arith.constant 0 : i32
    %sign3A_8 = arith.cmpi sgt, %jit3A, %sign3A_7 : i32
    %sign3A_9 = arith.extui %sign3A_8 : i1 to i32
    %sign3A_10 = arith.constant 0 : i32
    %sign3A_11 = arith.cmpi slt, %jit3A, %sign3A_10 : i32
    %sign3A_12 = arith.extui %sign3A_11 : i1 to i32
    %sign3A_13 = arith.subi %sign3A_9, %sign3A_12 : i32
    %ne3A = arith.cmpi ne, %sign3A_6, %sign3A_13 : i32
    %rem3A = arith.remsi %add3A, %jit3A : i32
    %ne3A_14 = arith.constant 0 : i32
    %ne3A_15 = arith.cmpi ne, %rem3A, %ne3A_14 : i32
    %and3A = arith.andi %ne3A, %ne3A_15 : i1
    %sub3A = arith.constant 1 : i32
    %sub3A_16 = arith.subi %div3A, %sub3A : i32
    %select_n3A = arith.select %and3A, %sub3A_16, %div3A : i32
    %jit3A_17 = arith.constant 2 : i32
    %eq3A = arith.constant 0 : i32
    %eq3A_18 = arith.cmpi eq, %jit3A_17, %eq3A : i32
    %jit3A_19 = arith.constant 1 : i32
    %select_n3A_20 = arith.select %eq3A_18, %jit3A_19, %jit3A_17 : i32
    %rem3A_21 = arith.remsi %add3A, %select_n3A_20 : i32
    %ne3A_22 = arith.constant 0 : i32
    %ne3A_23 = arith.cmpi ne, %rem3A_21, %ne3A_22 : i32
    %lt3A = arith.constant 0 : i32
    %lt3A_24 = arith.cmpi slt, %rem3A_21, %lt3A : i32
    %lt3A_25 = arith.constant 0 : i32
    %lt3A_26 = arith.cmpi slt, %select_n3A_20, %lt3A_25 : i32
    %ne3A_27 = arith.xori %lt3A_24, %lt3A_26 : i1
    %and3A_28 = arith.andi %ne3A_27, %ne3A_23 : i1
    %add3A_29 = arith.addi %rem3A_21, %select_n3A_20 : i32
    %select_n3A_30 = arith.select %and3A_28, %add3A_29, %rem3A_21 : i32
    %mul3A_31 = arith.constant 32 : i32
    %mul3A_32 = arith.muli %select_n3A_30, %mul3A_31 : i32
    "tpu.region"() ({
      %run_scoped3A = tpu.sem_alloc : memref<!tpu.dma_semaphore, #tpu.memory_space<semaphore_mem>>
      %dma_start3A_37 = tpu.memref_slice %arg3[%select_n3A, %mul3A_32] : memref<16x64xi32, #tpu.memory_space<hbm>> -> memref<1x32xi32, #tpu.memory_space<hbm>>
      %dma_start3A_38 = tpu.memref_squeeze %dma_start3A_37 : memref<1x32xi32, #tpu.memory_space<hbm>> -> memref<32xi32, #tpu.memory_space<hbm>>
      %dma_start3A_39 = tpu.memref_slice %arg3[%select_n3A, %mul3A_32] : memref<16x64xi32, #tpu.memory_space<hbm>> -> memref<1x32xi32, #tpu.memory_space<hbm>>
      %dma_start3A_40 = tpu.memref_squeeze %dma_start3A_39 : memref<1x32xi32, #tpu.memory_space<hbm>> -> memref<32xi32, #tpu.memory_space<hbm>>
      tpu.enqueue_dma source(%dma_start3A_40 : memref<32xi32, #tpu.memory_space<hbm>>) target(%arg5 : memref<32xi32, #tpu.memory_space<vmem>>) target_semaphore(%run_scoped3A : memref<!tpu.dma_semaphore, #tpu.memory_space<semaphore_mem>>)
      %dma_wait3A_41 = tpu.memref_slice %arg3[%select_n3A, %mul3A_32] : memref<16x64xi32, #tpu.memory_space<hbm>> -> memref<1x32xi32, #tpu.memory_space<hbm>>
      %dma_wait3A_42 = tpu.memref_squeeze %dma_wait3A_41 : memref<1x32xi32, #tpu.memory_space<hbm>> -> memref<32xi32, #tpu.memory_space<hbm>>
      %dma_wait3A_43 = tpu.memref_slice %arg3[%select_n3A, %mul3A_32] : memref<16x64xi32, #tpu.memory_space<hbm>> -> memref<1x32xi32, #tpu.memory_space<hbm>>
      %dma_wait3A_44 = tpu.memref_squeeze %dma_wait3A_43 : memref<1x32xi32, #tpu.memory_space<hbm>> -> memref<32xi32, #tpu.memory_space<hbm>>
      tpu.wait_dma2 semaphore(%run_scoped3A : memref<!tpu.dma_semaphore, #tpu.memory_space<semaphore_mem>>) src(%dma_wait3A_44 : memref<32xi32, #tpu.memory_space<hbm>>) dst(%arg5 : memref<32xi32, #tpu.memory_space<vmem>>)
      tpu.yield
    }) : () -> ()
    %dma_start3A = arith.constant 0 : i32
    %dma_start3A_33 = arith.constant 0 : i32
    %dma_start3A_34 = tpu.memref_slice %arg2[%dma_start3A, %dma_start3A_33] : memref<9232x768xf32, #tpu.memory_space<hbm>> -> memref<9232x768xf32, #tpu.memory_space<hbm>>
    tpu.enqueue_indirect_dma source(%dma_start3A_34 : memref<9232x768xf32, #tpu.memory_space<hbm>>) target(%arg6 : memref<32x768xf32, #tpu.memory_space<vmem>>) offsets(%arg5 : memref<32xi32, #tpu.memory_space<vmem>>) semaphore(%arg7 : memref<!tpu.dma_semaphore, #tpu.memory_space<semaphore_mem>>)
    %dma_wait3A = arith.constant 0 : i32
    %dma_wait3A_35 = arith.constant 0 : i32
    %dma_wait3A_36 = tpu.memref_slice %arg2[%dma_wait3A, %dma_wait3A_35] : memref<9232x768xf32, #tpu.memory_space<hbm>> -> memref<9232x768xf32, #tpu.memory_space<hbm>>
    tpu.wait_indirect_dma semaphore(%arg7 : memref<!tpu.dma_semaphore, #tpu.memory_space<semaphore_mem>>) src(%dma_wait3A_36 : memref<9232x768xf32, #tpu.memory_space<hbm>>) dst(%arg6 : memref<32x768xf32, #tpu.memory_space<vmem>>)
    "tpu.region"() ({
      %run_scoped3A = tpu.sem_alloc : memref<!tpu.dma_semaphore, #tpu.memory_space<semaphore_mem>>
      %dma_start3A_37 = arith.constant 0 : i32
      %dma_start3A_38 = tpu.memref_slice %arg4[%select_n3A, %mul3A_32, %dma_start3A_37] : memref<16x64x768xf32, #tpu.memory_space<hbm>> -> memref<1x32x768xf32, #tpu.memory_space<hbm>>
      %dma_start3A_39 = tpu.memref_squeeze %dma_start3A_38 : memref<1x32x768xf32, #tpu.memory_space<hbm>> -> memref<32x768xf32, #tpu.memory_space<hbm>>
      %dma_start3A_40 = arith.constant 0 : i32
      %dma_start3A_41 = tpu.memref_slice %arg4[%select_n3A, %mul3A_32, %dma_start3A_40] : memref<16x64x768xf32, #tpu.memory_space<hbm>> -> memref<1x32x768xf32, #tpu.memory_space<hbm>>
      %dma_start3A_42 = tpu.memref_squeeze %dma_start3A_41 : memref<1x32x768xf32, #tpu.memory_space<hbm>> -> memref<32x768xf32, #tpu.memory_space<hbm>>
      tpu.enqueue_dma source(%arg6 : memref<32x768xf32, #tpu.memory_space<vmem>>) target(%dma_start3A_42 : memref<32x768xf32, #tpu.memory_space<hbm>>) target_semaphore(%run_scoped3A : memref<!tpu.dma_semaphore, #tpu.memory_space<semaphore_mem>>)
      %dma_wait3A_43 = arith.constant 0 : i32
      %dma_wait3A_44 = tpu.memref_slice %arg4[%select_n3A, %mul3A_32, %dma_wait3A_43] : memref<16x64x768xf32, #tpu.memory_space<hbm>> -> memref<1x32x768xf32, #tpu.memory_space<hbm>>
      %dma_wait3A_45 = tpu.memref_squeeze %dma_wait3A_44 : memref<1x32x768xf32, #tpu.memory_space<hbm>> -> memref<32x768xf32, #tpu.memory_space<hbm>>
      %dma_wait3A_46 = arith.constant 0 : i32
      %dma_wait3A_47 = tpu.memref_slice %arg4[%select_n3A, %mul3A_32, %dma_wait3A_46] : memref<16x64x768xf32, #tpu.memory_space<hbm>> -> memref<1x32x768xf32, #tpu.memory_space<hbm>>
      %dma_wait3A_48 = tpu.memref_squeeze %dma_wait3A_47 : memref<1x32x768xf32, #tpu.memory_space<hbm>> -> memref<32x768xf32, #tpu.memory_space<hbm>>
      tpu.wait_dma2 semaphore(%run_scoped3A : memref<!tpu.dma_semaphore, #tpu.memory_space<semaphore_mem>>) src(%arg6 : memref<32x768xf32, #tpu.memory_space<vmem>>) dst(%dma_wait3A_48 : memref<32x768xf32, #tpu.memory_space<hbm>>)
      tpu.yield
    }) : () -> ()
    return
  }
}

module attributes {stable_mosaic.version = 14 : i64} {
  func.func @_topk_body(%arg0: memref<12x16x640xf32, #tpu.memory_space<vmem>>, %arg1: memref<16x64xi32, #tpu.memory_space<vmem>>) attributes {dimension_semantics = [], scalar_prefetch = 0 : i64, scratch_operands = 0 : i64, tpu.core_type = #tpu.core_type<tc>} {
    %get3A = arith.constant 0 : index
    %get3A_0 = arith.constant 0 : index
    %get3A_1 = arith.constant 0 : index
    %get3A_2 = vector.load %arg0[%get3A, %get3A_0, %get3A_1] : memref<12x16x640xf32, #tpu.memory_space<vmem>>, vector<1x16x128xf32>
    %get3A_3 = vector.shape_cast %get3A_2 : vector<1x16x128xf32> to vector<16x128xf32>
    %get3A_4 = arith.constant 1 : index
    %get3A_5 = arith.constant 0 : index
    %get3A_6 = arith.constant 0 : index
    %get3A_7 = vector.load %arg0[%get3A_4, %get3A_5, %get3A_6] : memref<12x16x640xf32, #tpu.memory_space<vmem>>, vector<1x16x128xf32>
    %get3A_8 = vector.shape_cast %get3A_7 : vector<1x16x128xf32> to vector<16x128xf32>
    %add3A = arith.addf %get3A_3, %get3A_8 : vector<16x128xf32>
    %get3A_9 = arith.constant 2 : index
    %get3A_10 = arith.constant 0 : index
    %get3A_11 = arith.constant 0 : index
    %get3A_12 = vector.load %arg0[%get3A_9, %get3A_10, %get3A_11] : memref<12x16x640xf32, #tpu.memory_space<vmem>>, vector<1x16x128xf32>
    %get3A_13 = vector.shape_cast %get3A_12 : vector<1x16x128xf32> to vector<16x128xf32>
    %add3A_14 = arith.addf %add3A, %get3A_13 : vector<16x128xf32>
    %get3A_15 = arith.constant 3 : index
    %get3A_16 = arith.constant 0 : index
    %get3A_17 = arith.constant 0 : index
    %get3A_18 = vector.load %arg0[%get3A_15, %get3A_16, %get3A_17] : memref<12x16x640xf32, #tpu.memory_space<vmem>>, vector<1x16x128xf32>
    %get3A_19 = vector.shape_cast %get3A_18 : vector<1x16x128xf32> to vector<16x128xf32>
    %add3A_20 = arith.addf %add3A_14, %get3A_19 : vector<16x128xf32>
    %get3A_21 = arith.constant 4 : index
    %get3A_22 = arith.constant 0 : index
    %get3A_23 = arith.constant 0 : index
    %get3A_24 = vector.load %arg0[%get3A_21, %get3A_22, %get3A_23] : memref<12x16x640xf32, #tpu.memory_space<vmem>>, vector<1x16x128xf32>
    %get3A_25 = vector.shape_cast %get3A_24 : vector<1x16x128xf32> to vector<16x128xf32>
    %add3A_26 = arith.addf %add3A_20, %get3A_25 : vector<16x128xf32>
    %get3A_27 = arith.constant 5 : index
    %get3A_28 = arith.constant 0 : index
    %get3A_29 = arith.constant 0 : index
    %get3A_30 = vector.load %arg0[%get3A_27, %get3A_28, %get3A_29] : memref<12x16x640xf32, #tpu.memory_space<vmem>>, vector<1x16x128xf32>
    %get3A_31 = vector.shape_cast %get3A_30 : vector<1x16x128xf32> to vector<16x128xf32>
    %add3A_32 = arith.addf %add3A_26, %get3A_31 : vector<16x128xf32>
    %get3A_33 = arith.constant 6 : index
    %get3A_34 = arith.constant 0 : index
    %get3A_35 = arith.constant 0 : index
    %get3A_36 = vector.load %arg0[%get3A_33, %get3A_34, %get3A_35] : memref<12x16x640xf32, #tpu.memory_space<vmem>>, vector<1x16x128xf32>
    %get3A_37 = vector.shape_cast %get3A_36 : vector<1x16x128xf32> to vector<16x128xf32>
    %add3A_38 = arith.addf %add3A_32, %get3A_37 : vector<16x128xf32>
    %get3A_39 = arith.constant 7 : index
    %get3A_40 = arith.constant 0 : index
    %get3A_41 = arith.constant 0 : index
    %get3A_42 = vector.load %arg0[%get3A_39, %get3A_40, %get3A_41] : memref<12x16x640xf32, #tpu.memory_space<vmem>>, vector<1x16x128xf32>
    %get3A_43 = vector.shape_cast %get3A_42 : vector<1x16x128xf32> to vector<16x128xf32>
    %add3A_44 = arith.addf %add3A_38, %get3A_43 : vector<16x128xf32>
    %get3A_45 = arith.constant 8 : index
    %get3A_46 = arith.constant 0 : index
    %get3A_47 = arith.constant 0 : index
    %get3A_48 = vector.load %arg0[%get3A_45, %get3A_46, %get3A_47] : memref<12x16x640xf32, #tpu.memory_space<vmem>>, vector<1x16x128xf32>
    %get3A_49 = vector.shape_cast %get3A_48 : vector<1x16x128xf32> to vector<16x128xf32>
    %add3A_50 = arith.addf %add3A_44, %get3A_49 : vector<16x128xf32>
    %get3A_51 = arith.constant 9 : index
    %get3A_52 = arith.constant 0 : index
    %get3A_53 = arith.constant 0 : index
    %get3A_54 = vector.load %arg0[%get3A_51, %get3A_52, %get3A_53] : memref<12x16x640xf32, #tpu.memory_space<vmem>>, vector<1x16x128xf32>
    %get3A_55 = vector.shape_cast %get3A_54 : vector<1x16x128xf32> to vector<16x128xf32>
    %add3A_56 = arith.addf %add3A_50, %get3A_55 : vector<16x128xf32>
    %get3A_57 = arith.constant 10 : index
    %get3A_58 = arith.constant 0 : index
    %get3A_59 = arith.constant 0 : index
    %get3A_60 = vector.load %arg0[%get3A_57, %get3A_58, %get3A_59] : memref<12x16x640xf32, #tpu.memory_space<vmem>>, vector<1x16x128xf32>
    %get3A_61 = vector.shape_cast %get3A_60 : vector<1x16x128xf32> to vector<16x128xf32>
    %add3A_62 = arith.addf %add3A_56, %get3A_61 : vector<16x128xf32>
    %get3A_63 = arith.constant 11 : index
    %get3A_64 = arith.constant 0 : index
    %get3A_65 = arith.constant 0 : index
    %get3A_66 = vector.load %arg0[%get3A_63, %get3A_64, %get3A_65] : memref<12x16x640xf32, #tpu.memory_space<vmem>>, vector<1x16x128xf32>
    %get3A_67 = vector.shape_cast %get3A_66 : vector<1x16x128xf32> to vector<16x128xf32>
    %add3A_68 = arith.addf %add3A_62, %get3A_67 : vector<16x128xf32>
    %mul3A = arith.constant 0.0833333358 : f32
    %mul3A_69 = vector.broadcast %mul3A : f32 to vector<16x128xf32>
    %mul3A_70 = arith.mulf %add3A_68, %mul3A_69 : vector<16x128xf32>
    %get3A_71 = arith.constant 0 : index
    %get3A_72 = arith.constant 0 : index
    %get3A_73 = arith.constant 128 : index
    %get3A_74 = vector.load %arg0[%get3A_71, %get3A_72, %get3A_73] : memref<12x16x640xf32, #tpu.memory_space<vmem>>, vector<1x16x128xf32>
    %get3A_75 = vector.shape_cast %get3A_74 : vector<1x16x128xf32> to vector<16x128xf32>
    %get3A_76 = arith.constant 1 : index
    %get3A_77 = arith.constant 0 : index
    %get3A_78 = arith.constant 128 : index
    %get3A_79 = vector.load %arg0[%get3A_76, %get3A_77, %get3A_78] : memref<12x16x640xf32, #tpu.memory_space<vmem>>, vector<1x16x128xf32>
    %get3A_80 = vector.shape_cast %get3A_79 : vector<1x16x128xf32> to vector<16x128xf32>
    %add3A_81 = arith.addf %get3A_75, %get3A_80 : vector<16x128xf32>
    %get3A_82 = arith.constant 2 : index
    %get3A_83 = arith.constant 0 : index
    %get3A_84 = arith.constant 128 : index
    %get3A_85 = vector.load %arg0[%get3A_82, %get3A_83, %get3A_84] : memref<12x16x640xf32, #tpu.memory_space<vmem>>, vector<1x16x128xf32>
    %get3A_86 = vector.shape_cast %get3A_85 : vector<1x16x128xf32> to vector<16x128xf32>
    %add3A_87 = arith.addf %add3A_81, %get3A_86 : vector<16x128xf32>
    %get3A_88 = arith.constant 3 : index
    %get3A_89 = arith.constant 0 : index
    %get3A_90 = arith.constant 128 : index
    %get3A_91 = vector.load %arg0[%get3A_88, %get3A_89, %get3A_90] : memref<12x16x640xf32, #tpu.memory_space<vmem>>, vector<1x16x128xf32>
    %get3A_92 = vector.shape_cast %get3A_91 : vector<1x16x128xf32> to vector<16x128xf32>
    %add3A_93 = arith.addf %add3A_87, %get3A_92 : vector<16x128xf32>
    %get3A_94 = arith.constant 4 : index
    %get3A_95 = arith.constant 0 : index
    %get3A_96 = arith.constant 128 : index
    %get3A_97 = vector.load %arg0[%get3A_94, %get3A_95, %get3A_96] : memref<12x16x640xf32, #tpu.memory_space<vmem>>, vector<1x16x128xf32>
    %get3A_98 = vector.shape_cast %get3A_97 : vector<1x16x128xf32> to vector<16x128xf32>
    %add3A_99 = arith.addf %add3A_93, %get3A_98 : vector<16x128xf32>
    %get3A_100 = arith.constant 5 : index
    %get3A_101 = arith.constant 0 : index
    %get3A_102 = arith.constant 128 : index
    %get3A_103 = vector.load %arg0[%get3A_100, %get3A_101, %get3A_102] : memref<12x16x640xf32, #tpu.memory_space<vmem>>, vector<1x16x128xf32>
    %get3A_104 = vector.shape_cast %get3A_103 : vector<1x16x128xf32> to vector<16x128xf32>
    %add3A_105 = arith.addf %add3A_99, %get3A_104 : vector<16x128xf32>
    %get3A_106 = arith.constant 6 : index
    %get3A_107 = arith.constant 0 : index
    %get3A_108 = arith.constant 128 : index
    %get3A_109 = vector.load %arg0[%get3A_106, %get3A_107, %get3A_108] : memref<12x16x640xf32, #tpu.memory_space<vmem>>, vector<1x16x128xf32>
    %get3A_110 = vector.shape_cast %get3A_109 : vector<1x16x128xf32> to vector<16x128xf32>
    %add3A_111 = arith.addf %add3A_105, %get3A_110 : vector<16x128xf32>
    %get3A_112 = arith.constant 7 : index
    %get3A_113 = arith.constant 0 : index
    %get3A_114 = arith.constant 128 : index
    %get3A_115 = vector.load %arg0[%get3A_112, %get3A_113, %get3A_114] : memref<12x16x640xf32, #tpu.memory_space<vmem>>, vector<1x16x128xf32>
    %get3A_116 = vector.shape_cast %get3A_115 : vector<1x16x128xf32> to vector<16x128xf32>
    %add3A_117 = arith.addf %add3A_111, %get3A_116 : vector<16x128xf32>
    %get3A_118 = arith.constant 8 : index
    %get3A_119 = arith.constant 0 : index
    %get3A_120 = arith.constant 128 : index
    %get3A_121 = vector.load %arg0[%get3A_118, %get3A_119, %get3A_120] : memref<12x16x640xf32, #tpu.memory_space<vmem>>, vector<1x16x128xf32>
    %get3A_122 = vector.shape_cast %get3A_121 : vector<1x16x128xf32> to vector<16x128xf32>
    %add3A_123 = arith.addf %add3A_117, %get3A_122 : vector<16x128xf32>
    %get3A_124 = arith.constant 9 : index
    %get3A_125 = arith.constant 0 : index
    %get3A_126 = arith.constant 128 : index
    %get3A_127 = vector.load %arg0[%get3A_124, %get3A_125, %get3A_126] : memref<12x16x640xf32, #tpu.memory_space<vmem>>, vector<1x16x128xf32>
    %get3A_128 = vector.shape_cast %get3A_127 : vector<1x16x128xf32> to vector<16x128xf32>
    %add3A_129 = arith.addf %add3A_123, %get3A_128 : vector<16x128xf32>
    %get3A_130 = arith.constant 10 : index
    %get3A_131 = arith.constant 0 : index
    %get3A_132 = arith.constant 128 : index
    %get3A_133 = vector.load %arg0[%get3A_130, %get3A_131, %get3A_132] : memref<12x16x640xf32, #tpu.memory_space<vmem>>, vector<1x16x128xf32>
    %get3A_134 = vector.shape_cast %get3A_133 : vector<1x16x128xf32> to vector<16x128xf32>
    %add3A_135 = arith.addf %add3A_129, %get3A_134 : vector<16x128xf32>
    %get3A_136 = arith.constant 11 : index
    %get3A_137 = arith.constant 0 : index
    %get3A_138 = arith.constant 128 : index
    %get3A_139 = vector.load %arg0[%get3A_136, %get3A_137, %get3A_138] : memref<12x16x640xf32, #tpu.memory_space<vmem>>, vector<1x16x128xf32>
    %get3A_140 = vector.shape_cast %get3A_139 : vector<1x16x128xf32> to vector<16x128xf32>
    %add3A_141 = arith.addf %add3A_135, %get3A_140 : vector<16x128xf32>
    %mul3A_142 = arith.constant 0.0833333358 : f32
    %mul3A_143 = vector.broadcast %mul3A_142 : f32 to vector<16x128xf32>
    %mul3A_144 = arith.mulf %add3A_141, %mul3A_143 : vector<16x128xf32>
    %get3A_145 = arith.constant 0 : index
    %get3A_146 = arith.constant 0 : index
    %get3A_147 = arith.constant 256 : index
    %get3A_148 = vector.load %arg0[%get3A_145, %get3A_146, %get3A_147] : memref<12x16x640xf32, #tpu.memory_space<vmem>>, vector<1x16x128xf32>
    %get3A_149 = vector.shape_cast %get3A_148 : vector<1x16x128xf32> to vector<16x128xf32>
    %get3A_150 = arith.constant 1 : index
    %get3A_151 = arith.constant 0 : index
    %get3A_152 = arith.constant 256 : index
    %get3A_153 = vector.load %arg0[%get3A_150, %get3A_151, %get3A_152] : memref<12x16x640xf32, #tpu.memory_space<vmem>>, vector<1x16x128xf32>
    %get3A_154 = vector.shape_cast %get3A_153 : vector<1x16x128xf32> to vector<16x128xf32>
    %add3A_155 = arith.addf %get3A_149, %get3A_154 : vector<16x128xf32>
    %get3A_156 = arith.constant 2 : index
    %get3A_157 = arith.constant 0 : index
    %get3A_158 = arith.constant 256 : index
    %get3A_159 = vector.load %arg0[%get3A_156, %get3A_157, %get3A_158] : memref<12x16x640xf32, #tpu.memory_space<vmem>>, vector<1x16x128xf32>
    %get3A_160 = vector.shape_cast %get3A_159 : vector<1x16x128xf32> to vector<16x128xf32>
    %add3A_161 = arith.addf %add3A_155, %get3A_160 : vector<16x128xf32>
    %get3A_162 = arith.constant 3 : index
    %get3A_163 = arith.constant 0 : index
    %get3A_164 = arith.constant 256 : index
    %get3A_165 = vector.load %arg0[%get3A_162, %get3A_163, %get3A_164] : memref<12x16x640xf32, #tpu.memory_space<vmem>>, vector<1x16x128xf32>
    %get3A_166 = vector.shape_cast %get3A_165 : vector<1x16x128xf32> to vector<16x128xf32>
    %add3A_167 = arith.addf %add3A_161, %get3A_166 : vector<16x128xf32>
    %get3A_168 = arith.constant 4 : index
    %get3A_169 = arith.constant 0 : index
    %get3A_170 = arith.constant 256 : index
    %get3A_171 = vector.load %arg0[%get3A_168, %get3A_169, %get3A_170] : memref<12x16x640xf32, #tpu.memory_space<vmem>>, vector<1x16x128xf32>
    %get3A_172 = vector.shape_cast %get3A_171 : vector<1x16x128xf32> to vector<16x128xf32>
    %add3A_173 = arith.addf %add3A_167, %get3A_172 : vector<16x128xf32>
    %get3A_174 = arith.constant 5 : index
    %get3A_175 = arith.constant 0 : index
    %get3A_176 = arith.constant 256 : index
    %get3A_177 = vector.load %arg0[%get3A_174, %get3A_175, %get3A_176] : memref<12x16x640xf32, #tpu.memory_space<vmem>>, vector<1x16x128xf32>
    %get3A_178 = vector.shape_cast %get3A_177 : vector<1x16x128xf32> to vector<16x128xf32>
    %add3A_179 = arith.addf %add3A_173, %get3A_178 : vector<16x128xf32>
    %get3A_180 = arith.constant 6 : index
    %get3A_181 = arith.constant 0 : index
    %get3A_182 = arith.constant 256 : index
    %get3A_183 = vector.load %arg0[%get3A_180, %get3A_181, %get3A_182] : memref<12x16x640xf32, #tpu.memory_space<vmem>>, vector<1x16x128xf32>
    %get3A_184 = vector.shape_cast %get3A_183 : vector<1x16x128xf32> to vector<16x128xf32>
    %add3A_185 = arith.addf %add3A_179, %get3A_184 : vector<16x128xf32>
    %get3A_186 = arith.constant 7 : index
    %get3A_187 = arith.constant 0 : index
    %get3A_188 = arith.constant 256 : index
    %get3A_189 = vector.load %arg0[%get3A_186, %get3A_187, %get3A_188] : memref<12x16x640xf32, #tpu.memory_space<vmem>>, vector<1x16x128xf32>
    %get3A_190 = vector.shape_cast %get3A_189 : vector<1x16x128xf32> to vector<16x128xf32>
    %add3A_191 = arith.addf %add3A_185, %get3A_190 : vector<16x128xf32>
    %get3A_192 = arith.constant 8 : index
    %get3A_193 = arith.constant 0 : index
    %get3A_194 = arith.constant 256 : index
    %get3A_195 = vector.load %arg0[%get3A_192, %get3A_193, %get3A_194] : memref<12x16x640xf32, #tpu.memory_space<vmem>>, vector<1x16x128xf32>
    %get3A_196 = vector.shape_cast %get3A_195 : vector<1x16x128xf32> to vector<16x128xf32>
    %add3A_197 = arith.addf %add3A_191, %get3A_196 : vector<16x128xf32>
    %get3A_198 = arith.constant 9 : index
    %get3A_199 = arith.constant 0 : index
    %get3A_200 = arith.constant 256 : index
    %get3A_201 = vector.load %arg0[%get3A_198, %get3A_199, %get3A_200] : memref<12x16x640xf32, #tpu.memory_space<vmem>>, vector<1x16x128xf32>
    %get3A_202 = vector.shape_cast %get3A_201 : vector<1x16x128xf32> to vector<16x128xf32>
    %add3A_203 = arith.addf %add3A_197, %get3A_202 : vector<16x128xf32>
    %get3A_204 = arith.constant 10 : index
    %get3A_205 = arith.constant 0 : index
    %get3A_206 = arith.constant 256 : index
    %get3A_207 = vector.load %arg0[%get3A_204, %get3A_205, %get3A_206] : memref<12x16x640xf32, #tpu.memory_space<vmem>>, vector<1x16x128xf32>
    %get3A_208 = vector.shape_cast %get3A_207 : vector<1x16x128xf32> to vector<16x128xf32>
    %add3A_209 = arith.addf %add3A_203, %get3A_208 : vector<16x128xf32>
    %get3A_210 = arith.constant 11 : index
    %get3A_211 = arith.constant 0 : index
    %get3A_212 = arith.constant 256 : index
    %get3A_213 = vector.load %arg0[%get3A_210, %get3A_211, %get3A_212] : memref<12x16x640xf32, #tpu.memory_space<vmem>>, vector<1x16x128xf32>
    %get3A_214 = vector.shape_cast %get3A_213 : vector<1x16x128xf32> to vector<16x128xf32>
    %add3A_215 = arith.addf %add3A_209, %get3A_214 : vector<16x128xf32>
    %mul3A_216 = arith.constant 0.0833333358 : f32
    %mul3A_217 = vector.broadcast %mul3A_216 : f32 to vector<16x128xf32>
    %mul3A_218 = arith.mulf %add3A_215, %mul3A_217 : vector<16x128xf32>
    %get3A_219 = arith.constant 0 : index
    %get3A_220 = arith.constant 0 : index
    %get3A_221 = arith.constant 384 : index
    %get3A_222 = vector.load %arg0[%get3A_219, %get3A_220, %get3A_221] : memref<12x16x640xf32, #tpu.memory_space<vmem>>, vector<1x16x128xf32>
    %get3A_223 = vector.shape_cast %get3A_222 : vector<1x16x128xf32> to vector<16x128xf32>
    %get3A_224 = arith.constant 1 : index
    %get3A_225 = arith.constant 0 : index
    %get3A_226 = arith.constant 384 : index
    %get3A_227 = vector.load %arg0[%get3A_224, %get3A_225, %get3A_226] : memref<12x16x640xf32, #tpu.memory_space<vmem>>, vector<1x16x128xf32>
    %get3A_228 = vector.shape_cast %get3A_227 : vector<1x16x128xf32> to vector<16x128xf32>
    %add3A_229 = arith.addf %get3A_223, %get3A_228 : vector<16x128xf32>
    %get3A_230 = arith.constant 2 : index
    %get3A_231 = arith.constant 0 : index
    %get3A_232 = arith.constant 384 : index
    %get3A_233 = vector.load %arg0[%get3A_230, %get3A_231, %get3A_232] : memref<12x16x640xf32, #tpu.memory_space<vmem>>, vector<1x16x128xf32>
    %get3A_234 = vector.shape_cast %get3A_233 : vector<1x16x128xf32> to vector<16x128xf32>
    %add3A_235 = arith.addf %add3A_229, %get3A_234 : vector<16x128xf32>
    %get3A_236 = arith.constant 3 : index
    %get3A_237 = arith.constant 0 : index
    %get3A_238 = arith.constant 384 : index
    %get3A_239 = vector.load %arg0[%get3A_236, %get3A_237, %get3A_238] : memref<12x16x640xf32, #tpu.memory_space<vmem>>, vector<1x16x128xf32>
    %get3A_240 = vector.shape_cast %get3A_239 : vector<1x16x128xf32> to vector<16x128xf32>
    %add3A_241 = arith.addf %add3A_235, %get3A_240 : vector<16x128xf32>
    %get3A_242 = arith.constant 4 : index
    %get3A_243 = arith.constant 0 : index
    %get3A_244 = arith.constant 384 : index
    %get3A_245 = vector.load %arg0[%get3A_242, %get3A_243, %get3A_244] : memref<12x16x640xf32, #tpu.memory_space<vmem>>, vector<1x16x128xf32>
    %get3A_246 = vector.shape_cast %get3A_245 : vector<1x16x128xf32> to vector<16x128xf32>
    %add3A_247 = arith.addf %add3A_241, %get3A_246 : vector<16x128xf32>
    %get3A_248 = arith.constant 5 : index
    %get3A_249 = arith.constant 0 : index
    %get3A_250 = arith.constant 384 : index
    %get3A_251 = vector.load %arg0[%get3A_248, %get3A_249, %get3A_250] : memref<12x16x640xf32, #tpu.memory_space<vmem>>, vector<1x16x128xf32>
    %get3A_252 = vector.shape_cast %get3A_251 : vector<1x16x128xf32> to vector<16x128xf32>
    %add3A_253 = arith.addf %add3A_247, %get3A_252 : vector<16x128xf32>
    %get3A_254 = arith.constant 6 : index
    %get3A_255 = arith.constant 0 : index
    %get3A_256 = arith.constant 384 : index
    %get3A_257 = vector.load %arg0[%get3A_254, %get3A_255, %get3A_256] : memref<12x16x640xf32, #tpu.memory_space<vmem>>, vector<1x16x128xf32>
    %get3A_258 = vector.shape_cast %get3A_257 : vector<1x16x128xf32> to vector<16x128xf32>
    %add3A_259 = arith.addf %add3A_253, %get3A_258 : vector<16x128xf32>
    %get3A_260 = arith.constant 7 : index
    %get3A_261 = arith.constant 0 : index
    %get3A_262 = arith.constant 384 : index
    %get3A_263 = vector.load %arg0[%get3A_260, %get3A_261, %get3A_262] : memref<12x16x640xf32, #tpu.memory_space<vmem>>, vector<1x16x128xf32>
    %get3A_264 = vector.shape_cast %get3A_263 : vector<1x16x128xf32> to vector<16x128xf32>
    %add3A_265 = arith.addf %add3A_259, %get3A_264 : vector<16x128xf32>
    %get3A_266 = arith.constant 8 : index
    %get3A_267 = arith.constant 0 : index
    %get3A_268 = arith.constant 384 : index
    %get3A_269 = vector.load %arg0[%get3A_266, %get3A_267, %get3A_268] : memref<12x16x640xf32, #tpu.memory_space<vmem>>, vector<1x16x128xf32>
    %get3A_270 = vector.shape_cast %get3A_269 : vector<1x16x128xf32> to vector<16x128xf32>
    %add3A_271 = arith.addf %add3A_265, %get3A_270 : vector<16x128xf32>
    %get3A_272 = arith.constant 9 : index
    %get3A_273 = arith.constant 0 : index
    %get3A_274 = arith.constant 384 : index
    %get3A_275 = vector.load %arg0[%get3A_272, %get3A_273, %get3A_274] : memref<12x16x640xf32, #tpu.memory_space<vmem>>, vector<1x16x128xf32>
    %get3A_276 = vector.shape_cast %get3A_275 : vector<1x16x128xf32> to vector<16x128xf32>
    %add3A_277 = arith.addf %add3A_271, %get3A_276 : vector<16x128xf32>
    %get3A_278 = arith.constant 10 : index
    %get3A_279 = arith.constant 0 : index
    %get3A_280 = arith.constant 384 : index
    %get3A_281 = vector.load %arg0[%get3A_278, %get3A_279, %get3A_280] : memref<12x16x640xf32, #tpu.memory_space<vmem>>, vector<1x16x128xf32>
    %get3A_282 = vector.shape_cast %get3A_281 : vector<1x16x128xf32> to vector<16x128xf32>
    %add3A_283 = arith.addf %add3A_277, %get3A_282 : vector<16x128xf32>
    %get3A_284 = arith.constant 11 : index
    %get3A_285 = arith.constant 0 : index
    %get3A_286 = arith.constant 384 : index
    %get3A_287 = vector.load %arg0[%get3A_284, %get3A_285, %get3A_286] : memref<12x16x640xf32, #tpu.memory_space<vmem>>, vector<1x16x128xf32>
    %get3A_288 = vector.shape_cast %get3A_287 : vector<1x16x128xf32> to vector<16x128xf32>
    %add3A_289 = arith.addf %add3A_283, %get3A_288 : vector<16x128xf32>
    %mul3A_290 = arith.constant 0.0833333358 : f32
    %mul3A_291 = vector.broadcast %mul3A_290 : f32 to vector<16x128xf32>
    %mul3A_292 = arith.mulf %add3A_289, %mul3A_291 : vector<16x128xf32>
    %get3A_293 = arith.constant 0 : index
    %get3A_294 = arith.constant 0 : index
    %get3A_295 = arith.constant 512 : index
    %get3A_296 = vector.load %arg0[%get3A_293, %get3A_294, %get3A_295] : memref<12x16x640xf32, #tpu.memory_space<vmem>>, vector<1x16x128xf32>
    %get3A_297 = vector.shape_cast %get3A_296 : vector<1x16x128xf32> to vector<16x128xf32>
    %get3A_298 = arith.constant 1 : index
    %get3A_299 = arith.constant 0 : index
    %get3A_300 = arith.constant 512 : index
    %get3A_301 = vector.load %arg0[%get3A_298, %get3A_299, %get3A_300] : memref<12x16x640xf32, #tpu.memory_space<vmem>>, vector<1x16x128xf32>
    %get3A_302 = vector.shape_cast %get3A_301 : vector<1x16x128xf32> to vector<16x128xf32>
    %add3A_303 = arith.addf %get3A_297, %get3A_302 : vector<16x128xf32>
    %get3A_304 = arith.constant 2 : index
    %get3A_305 = arith.constant 0 : index
    %get3A_306 = arith.constant 512 : index
    %get3A_307 = vector.load %arg0[%get3A_304, %get3A_305, %get3A_306] : memref<12x16x640xf32, #tpu.memory_space<vmem>>, vector<1x16x128xf32>
    %get3A_308 = vector.shape_cast %get3A_307 : vector<1x16x128xf32> to vector<16x128xf32>
    %add3A_309 = arith.addf %add3A_303, %get3A_308 : vector<16x128xf32>
    %get3A_310 = arith.constant 3 : index
    %get3A_311 = arith.constant 0 : index
    %get3A_312 = arith.constant 512 : index
    %get3A_313 = vector.load %arg0[%get3A_310, %get3A_311, %get3A_312] : memref<12x16x640xf32, #tpu.memory_space<vmem>>, vector<1x16x128xf32>
    %get3A_314 = vector.shape_cast %get3A_313 : vector<1x16x128xf32> to vector<16x128xf32>
    %add3A_315 = arith.addf %add3A_309, %get3A_314 : vector<16x128xf32>
    %get3A_316 = arith.constant 4 : index
    %get3A_317 = arith.constant 0 : index
    %get3A_318 = arith.constant 512 : index
    %get3A_319 = vector.load %arg0[%get3A_316, %get3A_317, %get3A_318] : memref<12x16x640xf32, #tpu.memory_space<vmem>>, vector<1x16x128xf32>
    %get3A_320 = vector.shape_cast %get3A_319 : vector<1x16x128xf32> to vector<16x128xf32>
    %add3A_321 = arith.addf %add3A_315, %get3A_320 : vector<16x128xf32>
    %get3A_322 = arith.constant 5 : index
    %get3A_323 = arith.constant 0 : index
    %get3A_324 = arith.constant 512 : index
    %get3A_325 = vector.load %arg0[%get3A_322, %get3A_323, %get3A_324] : memref<12x16x640xf32, #tpu.memory_space<vmem>>, vector<1x16x128xf32>
    %get3A_326 = vector.shape_cast %get3A_325 : vector<1x16x128xf32> to vector<16x128xf32>
    %add3A_327 = arith.addf %add3A_321, %get3A_326 : vector<16x128xf32>
    %get3A_328 = arith.constant 6 : index
    %get3A_329 = arith.constant 0 : index
    %get3A_330 = arith.constant 512 : index
    %get3A_331 = vector.load %arg0[%get3A_328, %get3A_329, %get3A_330] : memref<12x16x640xf32, #tpu.memory_space<vmem>>, vector<1x16x128xf32>
    %get3A_332 = vector.shape_cast %get3A_331 : vector<1x16x128xf32> to vector<16x128xf32>
    %add3A_333 = arith.addf %add3A_327, %get3A_332 : vector<16x128xf32>
    %get3A_334 = arith.constant 7 : index
    %get3A_335 = arith.constant 0 : index
    %get3A_336 = arith.constant 512 : index
    %get3A_337 = vector.load %arg0[%get3A_334, %get3A_335, %get3A_336] : memref<12x16x640xf32, #tpu.memory_space<vmem>>, vector<1x16x128xf32>
    %get3A_338 = vector.shape_cast %get3A_337 : vector<1x16x128xf32> to vector<16x128xf32>
    %add3A_339 = arith.addf %add3A_333, %get3A_338 : vector<16x128xf32>
    %get3A_340 = arith.constant 8 : index
    %get3A_341 = arith.constant 0 : index
    %get3A_342 = arith.constant 512 : index
    %get3A_343 = vector.load %arg0[%get3A_340, %get3A_341, %get3A_342] : memref<12x16x640xf32, #tpu.memory_space<vmem>>, vector<1x16x128xf32>
    %get3A_344 = vector.shape_cast %get3A_343 : vector<1x16x128xf32> to vector<16x128xf32>
    %add3A_345 = arith.addf %add3A_339, %get3A_344 : vector<16x128xf32>
    %get3A_346 = arith.constant 9 : index
    %get3A_347 = arith.constant 0 : index
    %get3A_348 = arith.constant 512 : index
    %get3A_349 = vector.load %arg0[%get3A_346, %get3A_347, %get3A_348] : memref<12x16x640xf32, #tpu.memory_space<vmem>>, vector<1x16x128xf32>
    %get3A_350 = vector.shape_cast %get3A_349 : vector<1x16x128xf32> to vector<16x128xf32>
    %add3A_351 = arith.addf %add3A_345, %get3A_350 : vector<16x128xf32>
    %get3A_352 = arith.constant 10 : index
    %get3A_353 = arith.constant 0 : index
    %get3A_354 = arith.constant 512 : index
    %get3A_355 = vector.load %arg0[%get3A_352, %get3A_353, %get3A_354] : memref<12x16x640xf32, #tpu.memory_space<vmem>>, vector<1x16x128xf32>
    %get3A_356 = vector.shape_cast %get3A_355 : vector<1x16x128xf32> to vector<16x128xf32>
    %add3A_357 = arith.addf %add3A_351, %get3A_356 : vector<16x128xf32>
    %get3A_358 = arith.constant 11 : index
    %get3A_359 = arith.constant 0 : index
    %get3A_360 = arith.constant 512 : index
    %get3A_361 = vector.load %arg0[%get3A_358, %get3A_359, %get3A_360] : memref<12x16x640xf32, #tpu.memory_space<vmem>>, vector<1x16x128xf32>
    %get3A_362 = vector.shape_cast %get3A_361 : vector<1x16x128xf32> to vector<16x128xf32>
    %add3A_363 = arith.addf %add3A_357, %get3A_362 : vector<16x128xf32>
    %mul3A_364 = arith.constant 0.0833333358 : f32
    %mul3A_365 = vector.broadcast %mul3A_364 : f32 to vector<16x128xf32>
    %mul3A_366 = arith.mulf %add3A_363, %mul3A_365 : vector<16x128xf32>
    %iota3A = tpu.iota {dimensions = array<i32: 1>} : vector<16x128xi32>
    %eq3A = arith.constant 0 : i32
    %eq3A_367 = vector.broadcast %eq3A : i32 to vector<16x128xi32>
    %eq3A_368 = arith.cmpi eq, %iota3A, %eq3A_367 : vector<16x128xi32>
    %jit3A = arith.constant -1.000000e+30 : f32
    %broadcast_in_dim3A = vector.broadcast %jit3A : f32 to vector<16x128xf32>
    %select_n3A = arith.select %eq3A_368, %broadcast_in_dim3A, %mul3A_70 : vector<16x128xi1>, vector<16x128xf32>
    %add3A_369 = arith.constant 0 : i32
    %add3A_370 = vector.broadcast %add3A_369 : i32 to vector<16x128xi32>
    %add3A_371 = arith.addi %iota3A, %add3A_370 : vector<16x128xi32>
    %add3A_372 = arith.constant 128 : i32
    %add3A_373 = vector.broadcast %add3A_372 : i32 to vector<16x128xi32>
    %add3A_374 = arith.addi %iota3A, %add3A_373 : vector<16x128xi32>
    %add3A_375 = arith.constant 256 : i32
    %add3A_376 = vector.broadcast %add3A_375 : i32 to vector<16x128xi32>
    %add3A_377 = arith.addi %iota3A, %add3A_376 : vector<16x128xi32>
    %add3A_378 = arith.constant 384 : i32
    %add3A_379 = vector.broadcast %add3A_378 : i32 to vector<16x128xi32>
    %add3A_380 = arith.addi %iota3A, %add3A_379 : vector<16x128xi32>
    %add3A_381 = arith.constant 512 : i32
    %add3A_382 = vector.broadcast %add3A_381 : i32 to vector<16x128xi32>
    %add3A_383 = arith.addi %iota3A, %add3A_382 : vector<16x128xi32>
    %iota3A_384 = tpu.iota {dimensions = array<i32: 1>} : vector<16x64xi32>
    %iota3A_385 = tpu.iota {dimensions = array<i32: 0>} : vector<16x64xi32>
    %broadcast_in_dim3A_386 = arith.constant 0 : i32
    %broadcast_in_dim3A_387 = vector.broadcast %broadcast_in_dim3A_386 : i32 to vector<16x64xi32>
    %scan3A = arith.constant 0 : i32
    %scan3A_388 = arith.constant 64 : i32
    %scan3A_389 = arith.addi %scan3A, %scan3A_388 : i32
    %scan3A_390 = arith.constant 1 : i32
    %scan3A_391:6 = scf.for %scan3A_395 = %scan3A to %scan3A_389 step %scan3A_390 iter_args(%scan3A_396 = %select_n3A, %scan3A_397 = %mul3A_144, %scan3A_398 = %mul3A_218, %scan3A_399 = %mul3A_292, %scan3A_400 = %mul3A_366, %scan3A_401 = %broadcast_in_dim3A_387) -> (vector<16x128xf32>, vector<16x128xf32>, vector<16x128xf32>, vector<16x128xf32>, vector<16x128xf32>, vector<16x64xi32>)  : i32 {
      %gt3A = arith.cmpf ogt, %scan3A_397, %scan3A_396 : vector<16x128xf32>
      %eq3A_402 = arith.cmpf oeq, %scan3A_397, %scan3A_396 : vector<16x128xf32>
      %lt3A = arith.cmpi slt, %add3A_374, %add3A_371 : vector<16x128xi32>
      %and3A = arith.andi %eq3A_402, %lt3A : vector<16x128xi1>
      %or3A = arith.ori %gt3A, %and3A : vector<16x128xi1>
      %select_n3A_403 = arith.select %or3A, %scan3A_397, %scan3A_396 : vector<16x128xi1>, vector<16x128xf32>
      %select_n3A_404 = arith.select %or3A, %add3A_374, %add3A_371 : vector<16x128xi1>, vector<16x128xi32>
      %gt3A_405 = arith.cmpf ogt, %scan3A_398, %select_n3A_403 : vector<16x128xf32>
      %eq3A_406 = arith.cmpf oeq, %scan3A_398, %select_n3A_403 : vector<16x128xf32>
      %lt3A_407 = arith.cmpi slt, %add3A_377, %select_n3A_404 : vector<16x128xi32>
      %and3A_408 = arith.andi %eq3A_406, %lt3A_407 : vector<16x128xi1>
      %or3A_409 = arith.ori %gt3A_405, %and3A_408 : vector<16x128xi1>
      %select_n3A_410 = arith.select %or3A_409, %scan3A_398, %select_n3A_403 : vector<16x128xi1>, vector<16x128xf32>
      %select_n3A_411 = arith.select %or3A_409, %add3A_377, %select_n3A_404 : vector<16x128xi1>, vector<16x128xi32>
      %gt3A_412 = arith.cmpf ogt, %scan3A_399, %select_n3A_410 : vector<16x128xf32>
      %eq3A_413 = arith.cmpf oeq, %scan3A_399, %select_n3A_410 : vector<16x128xf32>
      %lt3A_414 = arith.cmpi slt, %add3A_380, %select_n3A_411 : vector<16x128xi32>
      %and3A_415 = arith.andi %eq3A_413, %lt3A_414 : vector<16x128xi1>
      %or3A_416 = arith.ori %gt3A_412, %and3A_415 : vector<16x128xi1>
      %select_n3A_417 = arith.select %or3A_416, %scan3A_399, %select_n3A_410 : vector<16x128xi1>, vector<16x128xf32>
      %select_n3A_418 = arith.select %or3A_416, %add3A_380, %select_n3A_411 : vector<16x128xi1>, vector<16x128xi32>
      %gt3A_419 = arith.cmpf ogt, %scan3A_400, %select_n3A_417 : vector<16x128xf32>
      %eq3A_420 = arith.cmpf oeq, %scan3A_400, %select_n3A_417 : vector<16x128xf32>
      %lt3A_421 = arith.cmpi slt, %add3A_383, %select_n3A_418 : vector<16x128xi32>
      %and3A_422 = arith.andi %eq3A_420, %lt3A_421 : vector<16x128xi1>
      %or3A_423 = arith.ori %gt3A_419, %and3A_422 : vector<16x128xi1>
      %select_n3A_424 = arith.select %or3A_423, %scan3A_400, %select_n3A_417 : vector<16x128xi1>, vector<16x128xf32>
      %select_n3A_425 = arith.select %or3A_423, %add3A_383, %select_n3A_418 : vector<16x128xi1>, vector<16x128xi32>
      %slice3A = vector.extract_strided_slice %select_n3A_424 {offsets = [0, 127], sizes = [16, 1], strides = [1, 1]} : vector<16x128xf32> to vector<16x1xf32>
      %slice3A_426 = vector.extract_strided_slice %select_n3A_424 {offsets = [0, 0], sizes = [16, 127], strides = [1, 1]} : vector<16x128xf32> to vector<16x127xf32>
      %concatenate3A = tpu.concatenate %slice3A, %slice3A_426 in 1 : vector<16x1xf32>, vector<16x127xf32> -> vector<16x128xf32>
      %slice3A_427 = vector.extract_strided_slice %select_n3A_425 {offsets = [0, 127], sizes = [16, 1], strides = [1, 1]} : vector<16x128xi32> to vector<16x1xi32>
      %slice3A_428 = vector.extract_strided_slice %select_n3A_425 {offsets = [0, 0], sizes = [16, 127], strides = [1, 1]} : vector<16x128xi32> to vector<16x127xi32>
      %concatenate3A_429 = tpu.concatenate %slice3A_427, %slice3A_428 in 1 : vector<16x1xi32>, vector<16x127xi32> -> vector<16x128xi32>
      %gt3A_430 = arith.cmpf ogt, %concatenate3A, %select_n3A_424 : vector<16x128xf32>
      %eq3A_431 = arith.cmpf oeq, %concatenate3A, %select_n3A_424 : vector<16x128xf32>
      %lt3A_432 = arith.cmpi slt, %concatenate3A_429, %select_n3A_425 : vector<16x128xi32>
      %and3A_433 = arith.andi %eq3A_431, %lt3A_432 : vector<16x128xi1>
      %or3A_434 = arith.ori %gt3A_430, %and3A_433 : vector<16x128xi1>
      %select_n3A_435 = arith.select %or3A_434, %concatenate3A, %select_n3A_424 : vector<16x128xi1>, vector<16x128xf32>
      %select_n3A_436 = arith.select %or3A_434, %concatenate3A_429, %select_n3A_425 : vector<16x128xi1>, vector<16x128xi32>
      %slice3A_437 = vector.extract_strided_slice %select_n3A_435 {offsets = [0, 126], sizes = [16, 2], strides = [1, 1]} : vector<16x128xf32> to vector<16x2xf32>
      %slice3A_438 = vector.extract_strided_slice %select_n3A_435 {offsets = [0, 0], sizes = [16, 126], strides = [1, 1]} : vector<16x128xf32> to vector<16x126xf32>
      %concatenate3A_439 = tpu.concatenate %slice3A_437, %slice3A_438 in 1 : vector<16x2xf32>, vector<16x126xf32> -> vector<16x128xf32>
      %slice3A_440 = vector.extract_strided_slice %select_n3A_436 {offsets = [0, 126], sizes = [16, 2], strides = [1, 1]} : vector<16x128xi32> to vector<16x2xi32>
      %slice3A_441 = vector.extract_strided_slice %select_n3A_436 {offsets = [0, 0], sizes = [16, 126], strides = [1, 1]} : vector<16x128xi32> to vector<16x126xi32>
      %concatenate3A_442 = tpu.concatenate %slice3A_440, %slice3A_441 in 1 : vector<16x2xi32>, vector<16x126xi32> -> vector<16x128xi32>
      %gt3A_443 = arith.cmpf ogt, %concatenate3A_439, %select_n3A_435 : vector<16x128xf32>
      %eq3A_444 = arith.cmpf oeq, %concatenate3A_439, %select_n3A_435 : vector<16x128xf32>
      %lt3A_445 = arith.cmpi slt, %concatenate3A_442, %select_n3A_436 : vector<16x128xi32>
      %and3A_446 = arith.andi %eq3A_444, %lt3A_445 : vector<16x128xi1>
      %or3A_447 = arith.ori %gt3A_443, %and3A_446 : vector<16x128xi1>
      %select_n3A_448 = arith.select %or3A_447, %concatenate3A_439, %select_n3A_435 : vector<16x128xi1>, vector<16x128xf32>
      %select_n3A_449 = arith.select %or3A_447, %concatenate3A_442, %select_n3A_436 : vector<16x128xi1>, vector<16x128xi32>
      %slice3A_450 = vector.extract_strided_slice %select_n3A_448 {offsets = [0, 124], sizes = [16, 4], strides = [1, 1]} : vector<16x128xf32> to vector<16x4xf32>
      %slice3A_451 = vector.extract_strided_slice %select_n3A_448 {offsets = [0, 0], sizes = [16, 124], strides = [1, 1]} : vector<16x128xf32> to vector<16x124xf32>
      %concatenate3A_452 = tpu.concatenate %slice3A_450, %slice3A_451 in 1 : vector<16x4xf32>, vector<16x124xf32> -> vector<16x128xf32>
      %slice3A_453 = vector.extract_strided_slice %select_n3A_449 {offsets = [0, 124], sizes = [16, 4], strides = [1, 1]} : vector<16x128xi32> to vector<16x4xi32>
      %slice3A_454 = vector.extract_strided_slice %select_n3A_449 {offsets = [0, 0], sizes = [16, 124], strides = [1, 1]} : vector<16x128xi32> to vector<16x124xi32>
      %concatenate3A_455 = tpu.concatenate %slice3A_453, %slice3A_454 in 1 : vector<16x4xi32>, vector<16x124xi32> -> vector<16x128xi32>
      %gt3A_456 = arith.cmpf ogt, %concatenate3A_452, %select_n3A_448 : vector<16x128xf32>
      %eq3A_457 = arith.cmpf oeq, %concatenate3A_452, %select_n3A_448 : vector<16x128xf32>
      %lt3A_458 = arith.cmpi slt, %concatenate3A_455, %select_n3A_449 : vector<16x128xi32>
      %and3A_459 = arith.andi %eq3A_457, %lt3A_458 : vector<16x128xi1>
      %or3A_460 = arith.ori %gt3A_456, %and3A_459 : vector<16x128xi1>
      %select_n3A_461 = arith.select %or3A_460, %concatenate3A_452, %select_n3A_448 : vector<16x128xi1>, vector<16x128xf32>
      %select_n3A_462 = arith.select %or3A_460, %concatenate3A_455, %select_n3A_449 : vector<16x128xi1>, vector<16x128xi32>
      %slice3A_463 = vector.extract_strided_slice %select_n3A_461 {offsets = [0, 120], sizes = [16, 8], strides = [1, 1]} : vector<16x128xf32> to vector<16x8xf32>
      %slice3A_464 = vector.extract_strided_slice %select_n3A_461 {offsets = [0, 0], sizes = [16, 120], strides = [1, 1]} : vector<16x128xf32> to vector<16x120xf32>
      %concatenate3A_465 = tpu.concatenate %slice3A_463, %slice3A_464 in 1 : vector<16x8xf32>, vector<16x120xf32> -> vector<16x128xf32>
      %slice3A_466 = vector.extract_strided_slice %select_n3A_462 {offsets = [0, 120], sizes = [16, 8], strides = [1, 1]} : vector<16x128xi32> to vector<16x8xi32>
      %slice3A_467 = vector.extract_strided_slice %select_n3A_462 {offsets = [0, 0], sizes = [16, 120], strides = [1, 1]} : vector<16x128xi32> to vector<16x120xi32>
      %concatenate3A_468 = tpu.concatenate %slice3A_466, %slice3A_467 in 1 : vector<16x8xi32>, vector<16x120xi32> -> vector<16x128xi32>
      %gt3A_469 = arith.cmpf ogt, %concatenate3A_465, %select_n3A_461 : vector<16x128xf32>
      %eq3A_470 = arith.cmpf oeq, %concatenate3A_465, %select_n3A_461 : vector<16x128xf32>
      %lt3A_471 = arith.cmpi slt, %concatenate3A_468, %select_n3A_462 : vector<16x128xi32>
      %and3A_472 = arith.andi %eq3A_470, %lt3A_471 : vector<16x128xi1>
      %or3A_473 = arith.ori %gt3A_469, %and3A_472 : vector<16x128xi1>
      %select_n3A_474 = arith.select %or3A_473, %concatenate3A_465, %select_n3A_461 : vector<16x128xi1>, vector<16x128xf32>
      %select_n3A_475 = arith.select %or3A_473, %concatenate3A_468, %select_n3A_462 : vector<16x128xi1>, vector<16x128xi32>
      %slice3A_476 = vector.extract_strided_slice %select_n3A_474 {offsets = [0, 112], sizes = [16, 16], strides = [1, 1]} : vector<16x128xf32> to vector<16x16xf32>
      %slice3A_477 = vector.extract_strided_slice %select_n3A_474 {offsets = [0, 0], sizes = [16, 112], strides = [1, 1]} : vector<16x128xf32> to vector<16x112xf32>
      %concatenate3A_478 = tpu.concatenate %slice3A_476, %slice3A_477 in 1 : vector<16x16xf32>, vector<16x112xf32> -> vector<16x128xf32>
      %slice3A_479 = vector.extract_strided_slice %select_n3A_475 {offsets = [0, 112], sizes = [16, 16], strides = [1, 1]} : vector<16x128xi32> to vector<16x16xi32>
      %slice3A_480 = vector.extract_strided_slice %select_n3A_475 {offsets = [0, 0], sizes = [16, 112], strides = [1, 1]} : vector<16x128xi32> to vector<16x112xi32>
      %concatenate3A_481 = tpu.concatenate %slice3A_479, %slice3A_480 in 1 : vector<16x16xi32>, vector<16x112xi32> -> vector<16x128xi32>
      %gt3A_482 = arith.cmpf ogt, %concatenate3A_478, %select_n3A_474 : vector<16x128xf32>
      %eq3A_483 = arith.cmpf oeq, %concatenate3A_478, %select_n3A_474 : vector<16x128xf32>
      %lt3A_484 = arith.cmpi slt, %concatenate3A_481, %select_n3A_475 : vector<16x128xi32>
      %and3A_485 = arith.andi %eq3A_483, %lt3A_484 : vector<16x128xi1>
      %or3A_486 = arith.ori %gt3A_482, %and3A_485 : vector<16x128xi1>
      %select_n3A_487 = arith.select %or3A_486, %concatenate3A_478, %select_n3A_474 : vector<16x128xi1>, vector<16x128xf32>
      %select_n3A_488 = arith.select %or3A_486, %concatenate3A_481, %select_n3A_475 : vector<16x128xi1>, vector<16x128xi32>
      %slice3A_489 = vector.extract_strided_slice %select_n3A_487 {offsets = [0, 96], sizes = [16, 32], strides = [1, 1]} : vector<16x128xf32> to vector<16x32xf32>
      %slice3A_490 = vector.extract_strided_slice %select_n3A_487 {offsets = [0, 0], sizes = [16, 96], strides = [1, 1]} : vector<16x128xf32> to vector<16x96xf32>
      %concatenate3A_491 = tpu.concatenate %slice3A_489, %slice3A_490 in 1 : vector<16x32xf32>, vector<16x96xf32> -> vector<16x128xf32>
      %slice3A_492 = vector.extract_strided_slice %select_n3A_488 {offsets = [0, 96], sizes = [16, 32], strides = [1, 1]} : vector<16x128xi32> to vector<16x32xi32>
      %slice3A_493 = vector.extract_strided_slice %select_n3A_488 {offsets = [0, 0], sizes = [16, 96], strides = [1, 1]} : vector<16x128xi32> to vector<16x96xi32>
      %concatenate3A_494 = tpu.concatenate %slice3A_492, %slice3A_493 in 1 : vector<16x32xi32>, vector<16x96xi32> -> vector<16x128xi32>
      %gt3A_495 = arith.cmpf ogt, %concatenate3A_491, %select_n3A_487 : vector<16x128xf32>
      %eq3A_496 = arith.cmpf oeq, %concatenate3A_491, %select_n3A_487 : vector<16x128xf32>
      %lt3A_497 = arith.cmpi slt, %concatenate3A_494, %select_n3A_488 : vector<16x128xi32>
      %and3A_498 = arith.andi %eq3A_496, %lt3A_497 : vector<16x128xi1>
      %or3A_499 = arith.ori %gt3A_495, %and3A_498 : vector<16x128xi1>
      %select_n3A_500 = arith.select %or3A_499, %concatenate3A_491, %select_n3A_487 : vector<16x128xi1>, vector<16x128xf32>
      %select_n3A_501 = arith.select %or3A_499, %concatenate3A_494, %select_n3A_488 : vector<16x128xi1>, vector<16x128xi32>
      %slice3A_502 = vector.extract_strided_slice %select_n3A_500 {offsets = [0, 64], sizes = [16, 64], strides = [1, 1]} : vector<16x128xf32> to vector<16x64xf32>
      %slice3A_503 = vector.extract_strided_slice %select_n3A_500 {offsets = [0, 0], sizes = [16, 64], strides = [1, 1]} : vector<16x128xf32> to vector<16x64xf32>
      %concatenate3A_504 = tpu.concatenate %slice3A_502, %slice3A_503 in 1 : vector<16x64xf32>, vector<16x64xf32> -> vector<16x128xf32>
      %slice3A_505 = vector.extract_strided_slice %select_n3A_501 {offsets = [0, 64], sizes = [16, 64], strides = [1, 1]} : vector<16x128xi32> to vector<16x64xi32>
      %slice3A_506 = vector.extract_strided_slice %select_n3A_501 {offsets = [0, 0], sizes = [16, 64], strides = [1, 1]} : vector<16x128xi32> to vector<16x64xi32>
      %concatenate3A_507 = tpu.concatenate %slice3A_505, %slice3A_506 in 1 : vector<16x64xi32>, vector<16x64xi32> -> vector<16x128xi32>
      %gt3A_508 = arith.cmpf ogt, %concatenate3A_504, %select_n3A_500 : vector<16x128xf32>
      %eq3A_509 = arith.cmpf oeq, %concatenate3A_504, %select_n3A_500 : vector<16x128xf32>
      %lt3A_510 = arith.cmpi slt, %concatenate3A_507, %select_n3A_501 : vector<16x128xi32>
      %and3A_511 = arith.andi %eq3A_509, %lt3A_510 : vector<16x128xi1>
      %or3A_512 = arith.ori %gt3A_508, %and3A_511 : vector<16x128xi1>
      %select_n3A_513 = arith.select %or3A_512, %concatenate3A_507, %select_n3A_501 : vector<16x128xi1>, vector<16x128xi32>
      %eq3A_514 = vector.broadcast %scan3A_395 : i32 to vector<16x64xi32>
      %eq3A_515 = arith.cmpi eq, %iota3A_384, %eq3A_514 : vector<16x64xi32>
      %slice3A_516 = vector.extract_strided_slice %select_n3A_513 {offsets = [0, 0], sizes = [16, 64], strides = [1, 1]} : vector<16x128xi32> to vector<16x64xi32>
      %mul3A_517 = arith.constant 16 : i32
      %mul3A_518 = vector.broadcast %mul3A_517 : i32 to vector<16x64xi32>
      %mul3A_519 = arith.muli %slice3A_516, %mul3A_518 : vector<16x64xi32>
      %add3A_520 = arith.addi %mul3A_519, %iota3A_385 : vector<16x64xi32>
      %select_n3A_521 = arith.select %eq3A_515, %add3A_520, %scan3A_401 : vector<16x64xi1>, vector<16x64xi32>
      %eq3A_522 = arith.cmpi eq, %add3A_371, %select_n3A_513 : vector<16x128xi32>
      %jit3A_523 = arith.constant -1.000000e+30 : f32
      %broadcast_in_dim3A_524 = vector.broadcast %jit3A_523 : f32 to vector<16x128xf32>
      %select_n3A_525 = arith.select %eq3A_522, %broadcast_in_dim3A_524, %scan3A_396 : vector<16x128xi1>, vector<16x128xf32>
      %eq3A_526 = arith.cmpi eq, %add3A_374, %select_n3A_513 : vector<16x128xi32>
      %jit3A_527 = arith.constant -1.000000e+30 : f32
      %broadcast_in_dim3A_528 = vector.broadcast %jit3A_527 : f32 to vector<16x128xf32>
      %select_n3A_529 = arith.select %eq3A_526, %broadcast_in_dim3A_528, %scan3A_397 : vector<16x128xi1>, vector<16x128xf32>
      %eq3A_530 = arith.cmpi eq, %add3A_377, %select_n3A_513 : vector<16x128xi32>
      %jit3A_531 = arith.constant -1.000000e+30 : f32
      %broadcast_in_dim3A_532 = vector.broadcast %jit3A_531 : f32 to vector<16x128xf32>
      %select_n3A_533 = arith.select %eq3A_530, %broadcast_in_dim3A_532, %scan3A_398 : vector<16x128xi1>, vector<16x128xf32>
      %eq3A_534 = arith.cmpi eq, %add3A_380, %select_n3A_513 : vector<16x128xi32>
      %jit3A_535 = arith.constant -1.000000e+30 : f32
      %broadcast_in_dim3A_536 = vector.broadcast %jit3A_535 : f32 to vector<16x128xf32>
      %select_n3A_537 = arith.select %eq3A_534, %broadcast_in_dim3A_536, %scan3A_399 : vector<16x128xi1>, vector<16x128xf32>
      %eq3A_538 = arith.cmpi eq, %add3A_383, %select_n3A_513 : vector<16x128xi32>
      %jit3A_539 = arith.constant -1.000000e+30 : f32
      %broadcast_in_dim3A_540 = vector.broadcast %jit3A_539 : f32 to vector<16x128xf32>
      %select_n3A_541 = arith.select %eq3A_538, %broadcast_in_dim3A_540, %scan3A_400 : vector<16x128xi1>, vector<16x128xf32>
      scf.yield %select_n3A_525, %select_n3A_529, %select_n3A_533, %select_n3A_537, %select_n3A_541, %select_n3A_521 : vector<16x128xf32>, vector<16x128xf32>, vector<16x128xf32>, vector<16x128xf32>, vector<16x128xf32>, vector<16x64xi32>
    }
    %scan3A_392 = arith.constant 64 : i32
    %swap3A = arith.constant 0 : index
    %swap3A_393 = arith.constant 0 : index
    %swap3A_394 = vector.load %arg1[%swap3A, %swap3A_393] : memref<16x64xi32, #tpu.memory_space<vmem>>, vector<16x64xi32>
    tpu.vector_store %arg1[%swap3A, %swap3A_393], %scan3A_391#5 {strides = array<i32>} : memref<16x64xi32, #tpu.memory_space<vmem>>, vector<16x64xi32>,
    return
  }
}

</mosaic_0001>

<sc_bundles>
// kernel: kernel.4.cloned.1.call-start
scs
__scs_entry_jumppad:
0x0: {  	(pc) =	sbr.rel $0x88, $3  }
0x1: {  	(tag) =	ssettag $0x0;
	lr =	simm.s32 $0x1  }
0x2: {  	[smem:$0x3F9F] =	sst lr;
	_ =	strace $0xD0000000  }
0x3: {  	_ = 	snop  }
0x4: {  	_ = 	snop  }
0x5: {  	_ = 	snop  }
0x6: {  	_ = 	snop  }
0x7: {  	_ = 	snop  }
__scs_overlays_trampoline_lowered:
0x8: {  	[smem:$0x3FAE] =	sst s0  }
0x9: {  	[smem:$0x3FAF] =	sst s1  }
0xa: {  	[smem:$0x3FB0] =	sst s2  }
0xb: {  	[smem:$0x3FB1] =	sst s3  }
0xc: {  	[smem:$0x3FB2] =	sst s4  }
0xd: {  	[smem:$0x3FB3] =	sst s5  }
0xe: {  	[smem:$0x3FB4] =	sst s6  }
0xf: {  	[smem:$0x3FB5] =	sst s7  }
0x10: {  	[smem:$0x3FB6] =	sst s8  }
0x11: {  	[smem:$0x3FB7] =	sst s9;
	s0 =	simm.s32 @!p0 $0x0  }
0x12: {  	s1 =	sld [smem:$0x3F9D];
	s0 =	simm.s32 @p0 $0x1  }
0x13: {  	[smem:$0x3FB8] =	sst s0;
	s0 =	simm.s32 @!p1 $0x0  }
0x14: {  	s2 =	sld [smem:$0x3F9C];
	s0 =	simm.s32 @p1 $0x1  }
0x15: {  	[smem:$0x3FB9] =	sst s0;
	s0 =	simm.s32 @!p2 $0x0  }
0x16: {  	s3 =	sld [smem:$0x3FDB];
	s0 =	simm.s32 @p2 $0x1  }
0x17: {  	s4 =	simm.s32 $0x1BF5;
	[smem:$0x3FBB] =	sst s0  }
0x18: {  	s0 =	sld [smem:$0x3F9E];
	_ =	swait.ge [sflag:s4], $0x0  }
0x19: {  	s7 =	sld [smem:$0x3F9F]  }
0x1a: {  	s8 =	sadd.s32 $0xFFFFE003, lr  }
0x1b: {  	s9 =	sadd.s32 $0xFFFFFEF7, lr;
	s5 =	simm.s32 $0xFFFFFFFF;
	p2 =	slt.u32 s8, $0xFFFFF086  }
0x1c: {  	p1 =	slt.u32 s9, $0xF7A;
	s5 =	simm.s32 @!p2 $0x0  }
0x1d: {  	s5 =	simm.s32 @p1 $0x1;
	p0 =	seq.s32 s7, s2  }
0x1e: {  	s7 =	smul.u32 @!p0 $0xF7A, s2;
	p2 =	seq.s32 @!p0 s5, $0x0  }
0x1f: {  	s9 =	smul.u32 $0xF7A, s1;
	s8 =	simm.s32 @!p0 $0x1BF5;
	p2 =	por !p2, p0  }
0x20: {  	[sflag:s8] =	ssyncset.s32 @!p0 $0xFFFFF086;
	s6 =	sadd.s32 @!p0 s3, s7;
	s7 =	simm.s32 @!p0 $0x108  }
0x21: {  	s3 =	sadd.s32 s3, s9;
	s6 =	sadd.s32 @!p0 $0x88, s6;
	s7 =	simm.s32 @p2 $0x1082  }
0x22: {  	[simem:s7], [sflag:s8] =	dma.local @!p0 [hbm:s6], $0xF7A  }
0x23: {  	s9 =	sor.u32 $0xD0000000, s2;
	s6 =	simm.s32 $0x108;
	_ =	swait.ge @!p0 [sflag:s8], $0x0  }
0x24: {  	s3 =	sadd.s32 $0x88, s3;
	s6 =	simm.s32 @!p1 $0x1082;
	[sflag:s4] =	ssyncset.s32 $0xFFFFF086  }
0x25: {  	[simem:s6], [sflag:s4] =	dma.local [hbm:s3], $0xF7A  }
0x26: {  	[smem:$0x3F9F] =	sst s1;
	(tag) =	ssettag s2;
	_ =	strace s9  }
0x27: {  	s1 =	sld [smem:$0x3FAF]  }
0x28: {  	s2 =	sld [smem:$0x3FB0]  }
0x29: {  	s4 =	sld [smem:$0x3FB2]  }
0x2a: {  	p0 =	seq.s32 s5, $0x0;
	s5 =	sld [smem:$0x3FB3]  }
0x2b: {  	s6 =	sld [smem:$0x3FB4]  }
0x2c: {  	s7 =	sld [smem:$0x3FB5]  }
0x2d: {  	s3 =	simm.s32 $0x108;
	s8 =	sld [smem:$0x3FB6]  }
0x2e: {  	s3 =	simm.s32 @!p0 $0x1082;
	s9 =	sld [smem:$0x3FB7]  }
0x2f: {  	lr =	sadd.s32 s0, s3;
	s0 =	sld [smem:$0x3FAE]  }
0x30: {  	s3 =	sld [smem:$0x3FB1]  }
0x31: {  	[smem:$0x3FBA] =	sst s10  }
0x32: {  	s10 =	sld [smem:$0x3FB8];
	_ =	sdelay $0x3  }
0x33: {  	p0 =	seq.s32 s10, $0x1;
	s10 =	sld [smem:$0x3FBA];
	_ =	sdelay $0x3  }
0x34: {  	[smem:$0x3FBA] =	sst s10  }
0x35: {  	s10 =	sld [smem:$0x3FB9];
	_ =	sdelay $0x3  }
0x36: {  	p1 =	seq.s32 s10, $0x1;
	s10 =	sld [smem:$0x3FBA];
	_ =	sdelay $0x3  }
0x37: {  	[smem:$0x3FBA] =	sst s10  }
0x38: {  	s10 =	sld [smem:$0x3FBB]  }
0x39: {  	_ = 	snop;
	(pc) =	sbr.ind lr, $3  }
0x3a: {  	_ = 	snop  }
0x3b: {  	_ = 	snop  }
0x3c: {  	p2 =	seq.s32 s10, $0x1;
	s10 =	sld [smem:$0x3FBA]  }
0x3d: {  	_ =	shalt  }
0x3e: {  	_ =	shalt  }
0x3f: {  	_ =	shalt  }
0x40: {  	_ =	shalt  }
0x41: {  	_ =	shalt  }
0x42: {  	_ =	shalt  }
0x43: {  	_ =	shalt  }
0x44: {  	_ =	shalt  }
0x45: {  	_ =	shalt  }
0x46: {  	_ =	shalt  }
0x47: {  	_ =	shalt  }
0x48: {  	_ =	shalt  }
0x49: {  	_ =	shalt  }
0x4a: {  	_ =	shalt  }
0x4b: {  	_ =	shalt  }
0x4c: {  	_ =	shalt  }
0x4d: {  	_ =	shalt  }
0x4e: {  	_ =	shalt  }
0x4f: {  	_ =	shalt  }
0x50: {  	_ =	shalt  }
0x51: {  	_ =	shalt  }
0x52: {  	_ =	shalt  }
0x53: {  	_ =	shalt  }
0x54: {  	_ =	shalt  }
0x55: {  	_ =	shalt  }
0x56: {  	_ =	shalt  }
0x57: {  	_ =	shalt  }
0x58: {  	_ =	shalt  }
0x59: {  	_ =	shalt  }
0x5a: {  	_ =	shalt  }
0x5b: {  	_ =	shalt  }
0x5c: {  	_ =	shalt  }
0x5d: {  	_ =	shalt  }
0x5e: {  	_ =	shalt  }
0x5f: {  	_ =	shalt  }
0x60: {  	_ =	shalt  }
0x61: {  	_ =	shalt  }
0x62: {  	_ =	shalt  }
0x63: {  	_ =	shalt  }
0x64: {  	_ =	shalt  }
0x65: {  	_ =	shalt  }
0x66: {  	_ =	shalt  }
0x67: {  	_ =	shalt  }
0x68: {  	_ =	shalt  }
0x69: {  	_ =	shalt  }
0x6a: {  	_ =	shalt  }
0x6b: {  	_ =	shalt  }
0x6c: {  	_ =	shalt  }
0x6d: {  	_ =	shalt  }
0x6e: {  	_ =	shalt  }
0x6f: {  	_ =	shalt  }
0x70: {  	_ =	shalt  }
0x71: {  	_ =	shalt  }
0x72: {  	_ =	shalt  }
0x73: {  	_ =	shalt  }
0x74: {  	_ =	shalt  }
0x75: {  	_ =	shalt  }
0x76: {  	_ =	shalt  }
0x77: {  	_ =	shalt  }
0x78: {  	_ =	shalt  }
0x79: {  	_ =	shalt  }
0x7a: {  	_ =	shalt  }
0x7b: {  	_ =	shalt  }
0x7c: {  	_ =	shalt  }
0x7d: {  	_ =	shalt  }
0x7e: {  	_ =	shalt  }
0x7f: {  	_ =	shalt  }
0x80: {  	_ =	shalt  }
0x81: {  	_ =	shalt  }
0x82: {  	_ =	shalt  }
0x83: {  	_ =	shalt  }
0x84: {  	_ =	shalt  }
0x85: {  	_ =	shalt  }
0x86: {  	_ =	shalt  }
0x87: {  	_ =	shalt  }
.Lfunc_end0:
.L_simem_size_0:
called_computation_lowered:
.L_overlay_start_0:
0x88: {  	s2 =	sld [smem:$0x3FD9]  }
0x89: {  	s3 =	sld [smem:$0x3FFE];
	_ =	sdelay $0x1  }
0x8a: {  	s1 =	srdreg.scid  }
0x8b: {  	s0 =	sand.u32 $0x1, s1  }
0x8c: {  	s17 =	sshll.u32 s0, $0xA;
	s2 =	sadd.s32 s3, s2  }
0x8d: {  	s2 =	sadd.s32 s2, s17  }
0x8e: {  	[smem:$0x3FC6] =	sst s2  }
0x8f: {  	_ = 	snop  }
0x90: {  	s2 =	sld [smem:$0x3FC8]  }
0x91: {  	s18 =	sld [smem:$0x3FD0];
	(tm) =	ssettm $0x1  }
0x92: {  	s4 =	sld [smem:$0x3FFB];
	_ =	sdelay $0x3  }
0x93: {  	_ =	strace s4  }
0x94: {  	s4 =	sld [smem:$0x3FFC];
	_ =	sdelay $0x3  }
0x95: {  	_ =	strace s4  }
0x96: {  	s4 =	sld [smem:$0x3FFD];
	_ =	sdelay $0x3  }
0x97: {  	_ =	strace s4  }
0x98: {  	_ =	strace $0x8FFFFFFF  }
0x99: {  	s19 =	sld [smem:$0x3FDB];
	_ =	sdelay $0x1  }
0x9a: {  	s5 =	simm.s32 $_scs_section_size  }
0x9b: {  	s6 =	simm.s32 $_size__tile_overlayer_lowered;
	s7 =	simm.s32 $_tile_overlayer_lowered  }
0x9c: {  	s22 =	simm.s32 $0x1BFF;
	s21 =	sshll.u32 s7, $0x1;
	s4 =	sadd.s32 s5, s19  }
0x9d: {  	s8 =	simm.s32 $0x0;
	s20 =	sshll.u32 s6, $0x1;
	s6 =	sadd.s32 s21, s4  }
0x9e: {  	[timem:s8], [sflag:s22] =	dma.local [hbm:s6], s20  }
0x9f: {  	_ =	swait.ge [sflag:s22], s20  }
0xa0: {  	s5 =	ssub.s32 $0x0, s20;
	[sflag:s22] =	ssyncset.done $0x0  }
0xa1: {  	[sflag:s22] =	ssyncadd.s32 s5;
	_ =	sdelay $0x1  }
0xa2: {  	s23 =	simm.s32 $0x1B8B  }
0xa3: {  	_ =	swait.ge [sflag:s23], $0x1  }
0xa4: {  	[sflag:s23] =	ssyncset.done $0x0  }
0xa5: {  	s25 =	simm.s32 $0x1B8E;
	s24 =	sld [smem:$0x3FFE];
	[sflag:s23] =	ssyncadd.s32 $0xFFFFFFFF  }
0xa6: {  	s26 =	simm.s32 $execute0_lowered;
	[smem:$0x3FD2] =	sst s25  }
0xa7: {  	s6 =	sshll.u32 s26, $0x1;
	_ =	strace $0x80000046;
	[dreg:$0x1] =	wrdreg $0xFFFFFFFF  }
0xa8: {  	s28 =	simm.s32 $_size_execute0_lowered;
	s4 =	sadd.s32 s4, s6;
	[dreg:$0x0] =	wrdreg $0x0  }
0xa9: {  	s6 =	sshll.u32 s28, $0x1;
	[dreg:$0x2] =	wrdreg s4  }
0xaa: {  	[dreg:$0x3] =	wrdreg s6  }
0xab: {  	[dreg:$0x4] =	wrdreg $0xC0  }
0xac: {  	_ =	task [dreg:s8], $0x5FFFF  }
0xad: {  	[dreg:$0x1] =	wrdreg $0xFFFFFFFF  }
0xae: {  	[dreg:$0x0] =	wrdreg $0x60  }
0xaf: {  	[dreg:$0x2] =	wrdreg s2  }
0xb0: {  	[dreg:$0x3] =	wrdreg s24  }
0xb1: {  	[dreg:$0x4] =	wrdreg s18  }
0xb2: {  	[dreg:$0x5] =	wrdreg $0x9  }
0xb3: {  	_ =	task.clear_ibuf [dreg:s8], $0x6FFFF;
	_ =	strace $0x90000046  }
0xb4: {  	s29 =	simm.s32 $0x9;
	_ =	strace $0x80000048  }
0xb5: {  	_ =	swait.ge [sflag:s29], $0x1  }
0xb6: {  	[sflag:s29] =	ssyncadd.s32 $0xFFFFFFFF  }
0xb7: {  	_ =	strace $0x90000048  }
0xb8: {  	_ =	sfence  }
0xb9: {  	s30 =	sld [smem:$0x0];
	_ =	sdelay $0x2  }
0xba: {  	s31 =	sshll.u32 s1, $0xD;
	s1 =	sshrl.u32 s1, $0x2  }
0xbb: {  	s3 =	sand.u32 $0x4000, s31;
	s1 =	sadd.s32 s1, s30  }
0xbc: {  	s0 =	sor.u32 s3, s0;
	s1 =	sshll.u32 s1, $0x11  }
0xbd: {  	s0 =	sor.u32 s1, s0  }
0xbe: {  	s0 =	sadd.s32 $0x8F2B, s0  }
0xbf: {  	[sflag:s0] =	ssyncadd.remote.s32 $0x1  }
0xc0: {  	_ =	sfence.sel $0xFFFF  }
0xc1: {  	[dreg:$0x0] =	wrdreg $0xFFFFFFFF;
	(pc) =	sbr.abs _section_cstart, $3  }
0xc2: {  	[dreg:$0x1] =	wrdreg $0xFFFFFFFF  }
0xc3: {  	_ =	task.clear_ibuf [dreg:s8], $0x2FFFF;
	_ =	strace $0x9FFFFFFF  }
0xc4: {  	(tm) =	ssettm $0x7FFFFFFF  }
0xc5: {  	_ =	shalt  }
tec
execute0_lowered:
.L_overlay_start_1:
0x0: {  	(tag) =	ssettag $0x1  }
0x1: {  	s1 =	srdreg.scid;
	s5 =	rddreg [dreg:$0x1]  }
0x2: {  	s0 =	stileid.u32;
	s8 =	rddreg [dreg:$0x2]  }
0x3: {  	s6 =	simm.s32 $0x1;
	s2 =	rddreg [dreg:$0x3];
	s3 =	simm.s32 $0x0  }
0x4: {  	s11 =	simm.s32 $0x80;
	s12 =	simm.s32 $0x880;
	s13 =	simm.s32 $0x1080  }
0x5: {  	s14 =	simm.s32 $0x1880;
	s15 =	simm.s32 $0x2080;
	s4 =	sand.u32 $0x1, s1  }
0x6: {  	s16 =	simm.s32 $0x2880;
	s17 =	simm.s32 $0x3080;
	s1 =	sor.u32 s4, s0  }
0x7: {  	s18 =	simm.s32 $0x3880;
	p1 =	seq.s32 s4, $0x1;
	p0 =	seq.s32 s1, $0x0  }
0x8: {  	s19 =	simm.s32 $0x4080;
	s20 =	simm.s32 $0x4880;
	p0 =	por !p0, !p1  }
0x9: {  	s21 =	simm.s32 $0x5080;
	s22 =	simm.s32 $0x5880;
	p0 =	por !p0, !p0  }
0xa: {  	[smem:$0x7FF] =	sst s3;
	s9 =	sshll.u32 s4, $0x5;
	s6 =	simm.s32 @!p0 $0x0  }
0xb: {  	s30 =	ssub.s32 $0x2, s4;
	s10 =	smul.u32 $0x6000, s4;
	s6 =	ssub.s32 s0, s6  }
0xc: {  	s4 =	simm.s32 $0x1;
	s1 =	rddreg [dreg:$0x0];
	s7 =	sshll.u32 s6, $0x7  }
0xd: {  	s31 =	sshrl.u32 s30, $0x1;
	s6 =	smul.u32 $0xC000, s6;
	s7 =	sor.u32 s9, s7  }
0xe: {  	_ =	strace $0x80000047;
	s9 =	ssub.s32 s30, s31;
	s7 =	sshrl.u32 s7, $0x3  }
0xf: {  	v2 =	vlaneseq.u32;
	s10 =	sadd.s32 s10, s6;
	s6 =	sadd.s32 $0x100, s1;
	s9 =	smax.u32 s9, $0x1  }
0x10: {  	vm0 =	vmmov $0xffff;
	v1 =	vshrl.u32 v2, $0x3;
	s5 =	sadd.s32 s7, s5;
	s7 =	sadd.s32 $0x200, s1;
	s10 =	sshrl.u32 s10, $0x3  }
0x11: {  	v0 =	vand.u32 $0x7, v2;
	v2 =	vor.u32 $0x8, v2;
	v1 =	vmul.u32 $0x8, v1;
	s5 =	sadd.s32 $0x600, s5;
	s8 =	sadd.s32 s8, s10;
	s10 =	simm.s32 $0x2  }
.LBB2_1:
0x12: {  	[tilespmem:s3], [sflag:$0x2] =	stream.linear.gather [hbm4b:s5+s3], $0x20, $0x38;
	[tilespmem:$0x6080] =	vst v63  }
0x13: {  	_ =	swait.ge [sflag:s10], $0x20  }
0x14: {  	[sflag:s10] =	ssyncset.done $0x0  }
0x15: {  	[sflag:s10] =	ssyncadd.s32 $0xFFFFFFE0  }
0x16: {  	v3 =	vld [tilespmem:$0x0];
	_ =	sdelay $0x4  }
0x17: {  	v4 =	vshrl.u32 v3, $0x3  }
0x18: {  	v4 =	vmul.u32 $0x30, v4  }
0x19: {  	v3 =	vand.u32 $0x7, v3  }
0x1a: {  	v3 =	vor.u32 v3, v4  }
0x1b: {  	v4 =	vperm.xlane v3, v0;
	_ =	sdelay $0x1  }
0x1c: {  	v4 =	vadd.s32 v1, v4;
	_ =	sdelay $0x3  }
0x1d: {  	v3 =	vperm.xlane v3, v2  }
0x1e: {  	[tilespmem:s11], [sflag:$0x1] =	stream.indirect_vreg.gather [hbm4b:s1+s3], $0x80, v4, vm0, $0xb8;
	[tilespmem:$0x6080] =	vst v63  }
0x1f: {  	v3 =	vadd.s32 v1, v3  }
0x20: {  	[tilespmem:s12], [sflag:$0x1] =	stream.indirect_vreg.gather [hbm4b:s6+s3], $0x80, v4, vm0, $0xb8;
	[tilespmem:$0x6080] =	vst v63  }
0x21: {  	_ = 	snop  }
0x22: {  	[tilespmem:s13], [sflag:$0x1] =	stream.indirect_vreg.gather [hbm4b:s7+s3], $0x80, v4, vm0, $0xb8;
	[tilespmem:$0x6080] =	vst v63  }
0x23: {  	_ = 	snop  }
0x24: {  	[tilespmem:s14], [sflag:$0x1] =	stream.indirect_vreg.gather [hbm4b:s1+s3], $0x80, v3, vm0, $0xb8;
	[tilespmem:$0x6080] =	vst v63  }
0x25: {  	_ = 	snop  }
0x26: {  	[tilespmem:s15], [sflag:$0x1] =	stream.indirect_vreg.gather [hbm4b:s6+s3], $0x80, v3, vm0, $0xb8;
	[tilespmem:$0x6080] =	vst v63  }
0x27: {  	_ = 	snop  }
0x28: {  	[tilespmem:s16], [sflag:$0x1] =	stream.indirect_vreg.gather [hbm4b:s7+s3], $0x80, v3, vm0, $0xb8;
	[tilespmem:$0x6080] =	vst v63  }
0x29: {  	v3 =	vld [tilespmem:$0x10];
	_ =	sdelay $0x4  }
0x2a: {  	v63 =	vshrl.u32 v3, $0x3  }
0x2b: {  	v4 =	vmul.u32 $0x30, v63  }
0x2c: {  	v3 =	vand.u32 $0x7, v3  }
0x2d: {  	v3 =	vor.u32 v3, v4  }
0x2e: {  	v4 =	vperm.xlane v3, v0;
	_ =	sdelay $0x1  }
0x2f: {  	v4 =	vadd.s32 v1, v4;
	_ =	sdelay $0x3  }
0x30: {  	v3 =	vperm.xlane v3, v2  }
0x31: {  	[tilespmem:s17], [sflag:$0x1] =	stream.indirect_vreg.gather [hbm4b:s1+s3], $0x80, v4, vm0, $0xb8;
	[tilespmem:$0x6080] =	vst v63  }
0x32: {  	v3 =	vadd.s32 v1, v3  }
0x33: {  	[tilespmem:s18], [sflag:$0x1] =	stream.indirect_vreg.gather [hbm4b:s6+s3], $0x80, v4, vm0, $0xb8;
	[tilespmem:$0x6080] =	vst v63  }
0x34: {  	_ = 	snop  }
0x35: {  	[tilespmem:s19], [sflag:$0x1] =	stream.indirect_vreg.gather [hbm4b:s7+s3], $0x80, v4, vm0, $0xb8;
	[tilespmem:$0x6080] =	vst v63  }
0x36: {  	_ = 	snop  }
0x37: {  	[tilespmem:s20], [sflag:$0x1] =	stream.indirect_vreg.gather [hbm4b:s1+s3], $0x80, v3, vm0, $0xb8;
	[tilespmem:$0x6080] =	vst v63  }
0x38: {  	_ = 	snop  }
0x39: {  	[tilespmem:s21], [sflag:$0x1] =	stream.indirect_vreg.gather [hbm4b:s6+s3], $0x80, v3, vm0, $0xb8;
	[tilespmem:$0x6080] =	vst v63  }
0x3a: {  	_ = 	snop  }
0x3b: {  	[tilespmem:s22], [sflag:$0x1] =	stream.indirect_vreg.gather [hbm4b:s7+s3], $0x80, v3, vm0, $0xb8;
	[tilespmem:$0x6080] =	vst v63  }
0x3c: {  	_ =	swait.ge [sflag:s4], $0x6000  }
0x3d: {  	p0 =	sne.s32 s9, $0x1;
	[sflag:s4] =	ssyncset.done $0x0  }
.Ltmp0:
0x3e: {  	[sflag:s4] =	ssyncadd.s32 $0xFFFFA000;
	(pc) =	sbr.rel @p0 .LBB2_1-.Ltmp0, $4  }
0x3f: {  	[hbm4b:s8+s3] =	stream.linear.scatter [tilespmem:s11], [sflag:$0x2], $0x6000, $0x38;
	[tilespmem:$0x6080] =	vst v63  }
0x40: {  	_ =	swait.ge [sflag:s10], $0x6000  }
0x41: {  	[sflag:s10] =	ssyncset.done $0x0  }
0x42: {  	s9 =	sadd.s32 $0xFFFFFFFF, s9;
	[sflag:s10] =	ssyncadd.s32 $0xFFFFA000  }
0x43: {  	_ =	sfence.sel $0x180000  }
0x44: {  	[bflag:$0x0] =	sbarrier.arrive $0xFFFF  }
0x45: {  	p0 =	sne.s32 s0, $0x0;
	_ =	strace $0x90000047  }
0x46: {  	s0 =	sadd.s32 @!p0 $0x100000, s2;
	[bflag:$0x2] =	sbarrier.arrive $0xFFFF  }
0x47: {  	[sflag:s0] =	ssyncadd.tile.s32 @!p0 $0x1;
	_ =	shalt  }
.Lfunc_end2:
_tile_overlayer_lowered:
.L_overlay_start_2:
0x48: {  	(tag) =	ssettag $0x2  }
0x49: {  	s0 =	rddreg [dreg:$0x0];
	s2 =	stileid.u32  }
0x4a: {  	s1 =	rddreg [dreg:$0x1];
	p0 =	sne.s32 s2, $0x0  }
0x4b: {  	s3 =	rddreg [dreg:$0x2];
	[bflag:$0x3] =	sbarrier.arrive $0xFFFF;
	s2 =	simm.s32 @!p0 $0x1C02  }
0x4c: {  	[timem:s3], [sflag:s2] =	dma.local @!p0 [hbm:s0], s1  }
0x4d: {  	s0 =	simm.s32 @!p0 $0x2  }
0x4e: {  	_ =	swait.ge @!p0 [sflag:s0], s1  }
0x4f: {  	s1 =	ssub.s32 @!p0 $0x0, s1;
	[sflag:s0] =	ssyncset.done @!p0 $0x0  }
0x50: {  	[sflag:s0] =	ssyncadd.s32 @!p0 s1  }
0x51: {  	[bflag:$0x3] =	sbarrier.arrive $0xFFFF  }
0x52: {  	_ =	shalt  }

</sc_bundles>
